<compile_context>
chip_gen: v7x
topology: tpu7x:2x2x1
jax: 0.10.2.dev20260603
libtpu: 0.0.44.dev20260713+nightly
codegen_flags: <defaults>
</compile_context>

<pallas_src>
import functools

import jax
import jax.numpy as jnp
from jax import lax
from jax.experimental import pallas as pl
from jax.experimental.pallas import tpu as pltpu
from jax.experimental.pallas import tpu_sc as plsc

N = 8192
C = 768
H = 12
CH = C // H
Z = 512
M = 256
D = 2
SCALE = CH ** -0.5

NCORES = 2
NSUB = 16
NWORKERS = NCORES * NSUB
RPC = 8
NCHUNKS = Z // RPC


def _sc_body(mi_hbm, cs_hbm, mask_hbm, s_hbm, msum_hbm,
             mi_v, cs_v, mask_v, s_v, msum_v):
    cid = lax.axis_index("c")
    sid = lax.axis_index("s")
    wid = sid * NCORES + cid
    lanes = lax.iota(jnp.int32, 16)
    lm = lanes < RPC
    zeros16 = jnp.zeros((16,), jnp.float32)
    pltpu.sync_copy(mask_hbm, mask_v)

    nreps = NCHUNKS // NWORKERS
    for rep in range(nreps):
        c = wid + NWORKERS * rep
        base = c * RPC
        pltpu.sync_copy(mi_hbm.at[pl.ds(base * M, RPC * M)], mi_v)
        pltpu.sync_copy(cs_hbm.at[pl.ds(base * M, RPC * M)], cs_v)

        if rep == 0:
            def zbody(j, carry):
                s_v[pl.ds(j * 16, 16)] = zeros16
                return carry
            lax.fori_loop(0, RPC * N // 16, zbody, 0, unroll=8)

        def mbody(m, acc):
            flat = lanes * M + m
            idx = plsc.load_gather(mi_v, [flat], mask=lm)
            idx = jnp.where(lm, idx, 0)
            sc = plsc.load_gather(cs_v, [flat], mask=lm)
            mval = plsc.load_gather(mask_v, [idx], mask=lm)
            val = sc * mval
            plsc.addupdate_scatter(s_v, [lanes * N + idx], val, mask=lm)
            return acc + jnp.where(lm, mval, 0.0)
        msum = lax.fori_loop(0, M, mbody, zeros16, unroll=4)
        msum_v[...] = msum
        pltpu.sync_copy(s_v, s_hbm.at[pl.ds(base * N, RPC * N)])
        pltpu.sync_copy(msum_v.at[pl.ds(0, RPC)], msum_hbm.at[pl.ds(base, RPC)])

        if rep != nreps - 1:
            def rbody(m, carry):
                flat = lanes * M + m
                idx = plsc.load_gather(mi_v, [flat], mask=lm)
                idx = jnp.where(lm, idx, 0)
                plsc.store_scatter(s_v, [lanes * N + idx], zeros16, mask=lm)
                return carry
            lax.fori_loop(0, M, rbody, 0, unroll=4)

@functools.cache
def _get_sc_build():
    return functools.partial(
        pl.kernel,
        mesh=plsc.VectorSubcoreMesh(core_axis_name="c", subcore_axis_name="s"),
        out_type=(
            jax.ShapeDtypeStruct((Z * N,), jnp.float32),
            jax.ShapeDtypeStruct((Z,), jnp.float32),
        ),
        scratch_types=[
            pltpu.VMEM((RPC * M,), jnp.int32),
            pltpu.VMEM((RPC * M,), jnp.float32),
            pltpu.VMEM((N,), jnp.float32),
            pltpu.VMEM((RPC * N,), jnp.float32),
            pltpu.VMEM((16,), jnp.float32),
        ],
        compiler_params=pltpu.CompilerParams(needs_layout_passes=False),
    )(_sc_body)


NBLK1 = 1024
NSTEPS_A = N // NBLK1


def _tc12_body(k_ref, msum_ref, s_ref, feat_ref, q_ref, pos_ref, wk_ref,
               wv_ref, bqkv_ref, wpos_ref, wproj_ref, bproj_ref, out_ref,
               acc_feat, acc_p, acc_cs, acc_max, kr_s, vr_s, bias_s, o_v,
               wproj_b):
    i = pl.program_id(0)

    @pl.when(i == 0)
    def _():
        acc_feat[...] = jnp.zeros_like(acc_feat)
        acc_p[...] = jnp.zeros_like(acc_p)
        acc_cs[...] = jnp.zeros_like(acc_cs)
        acc_max[...] = jnp.full_like(acc_max, -jnp.inf)
        wproj_b[...] = wproj_ref[...].astype(jnp.bfloat16)

    @pl.when(i < NSTEPS_A)
    def _():
        s = s_ref[...]
        p = pos_ref[...]
        acc_feat[...] += lax.dot(s.astype(jnp.bfloat16),
                                 feat_ref[...].astype(jnp.bfloat16),
                                 preferred_element_type=jnp.float32)
        acc_p[...] += lax.dot(s, p, preferred_element_type=jnp.float32)
        acc_cs[...] += jnp.sum(s, axis=1, keepdims=True)
        acc_max[...] = jnp.maximum(acc_max[...],
                                   jnp.max(p, axis=0, keepdims=True))

    @pl.when(i == NSTEPS_A - 1)
    def _():
        fr = acc_feat[...]
        cs = acc_cs[...]
        kr_s[...] = (lax.dot(fr, wk_ref[...],
                             preferred_element_type=jnp.float32)
                     + cs * bqkv_ref[1:2, :]).astype(jnp.bfloat16)
        vr_s[...] = (lax.dot(fr, wv_ref[...],
                             preferred_element_type=jnp.float32)
                     + cs * bqkv_ref[2:3, :]).astype(jnp.bfloat16)
        pos_r = acc_p[...] / acc_max[...]
        bias = lax.dot(pos_r, wpos_ref[...],
                       preferred_element_type=jnp.float32)
        zrow = lax.broadcasted_iota(jnp.int32, (Z, 1), 0)
        mask2 = (msum_ref[...] > 0.0) & (zrow < k_ref[0, 0])
        bias_s[...] = jnp.transpose(bias + jnp.where(mask2, 0.0, -100.0))

    @pl.when(i >= NSTEPS_A)
    def _():
        for h in range(H):
            qh = q_ref[:, h * CH:(h + 1) * CH]
            kh = kr_s[:, h * CH:(h + 1) * CH]
            logits = lax.dot_general(qh, kh, (((1,), (1,)), ((), ())),
                                     preferred_element_type=jnp.float32)
            logits = logits + bias_s[h, :][None, :]
            mx = jnp.max(logits, axis=1, keepdims=True)
            e = jnp.exp(logits - mx)
            r = 1.0 / jnp.sum(e, axis=1, keepdims=True)
            o_v[:, h * CH:(h + 1) * CH] = (lax.dot(
                e.astype(jnp.bfloat16), vr_s[:, h * CH:(h + 1) * CH],
                preferred_element_type=jnp.float32) * r
            ).astype(jnp.bfloat16)
        out_ref[...] = lax.dot(o_v[...], wproj_b[...],
                               preferred_element_type=jnp.float32) \
            + bproj_ref[...]


def _ia(i):
    return jnp.minimum(i, NSTEPS_A - 1)


def _ib(i):
    return jnp.maximum(i - NSTEPS_A, 0)


_tc12 = pl.pallas_call(
    _tc12_body,
    grid=(2 * NSTEPS_A,),
    in_specs=[
        pl.BlockSpec(memory_space=pltpu.SMEM),
        pl.BlockSpec((Z, 1), lambda i: (0, 0)),
        pl.BlockSpec((Z, NBLK1), lambda i: (0, _ia(i))),
        pl.BlockSpec((NBLK1, C), lambda i: (_ia(i), 0)),
        pl.BlockSpec((NBLK1, C), lambda i: (_ib(i), 0)),
        pl.BlockSpec((NBLK1, D), lambda i: (_ia(i), 0)),
        pl.BlockSpec((C, C), lambda i: (0, 1)),
        pl.BlockSpec((C, C), lambda i: (0, 2)),
        pl.BlockSpec((3, C), lambda i: (0, 0)),
        pl.BlockSpec((D, H), lambda i: (0, 0)),
        pl.BlockSpec((C, C), lambda i: (0, 0)),
        pl.BlockSpec((1, C), lambda i: (0, 0)),
    ],
    out_specs=pl.BlockSpec((NBLK1, C), lambda i: (_ib(i), 0)),
    out_shape=jax.ShapeDtypeStruct((N, C), jnp.float32),
    scratch_shapes=[
        pltpu.VMEM((Z, C), jnp.float32),
        pltpu.VMEM((Z, D), jnp.float32),
        pltpu.VMEM((Z, 1), jnp.float32),
        pltpu.VMEM((1, D), jnp.float32),
        pltpu.VMEM((Z, C), jnp.bfloat16),
        pltpu.VMEM((Z, C), jnp.bfloat16),
        pltpu.VMEM((H, Z), jnp.float32),
        pltpu.VMEM((NBLK1, C), jnp.bfloat16),
        pltpu.VMEM((C, C), jnp.bfloat16),
    ],
    compiler_params=pltpu.CompilerParams(
        dimension_semantics=("arbitrary",),
        vmem_limit_bytes=100 * 1024 * 1024),
)


NBLKQ = 1024


def _tcq_body(feat_ref, wq_ref, bqkv_ref, q_ref):
    q_ref[...] = ((lax.dot(feat_ref[...], wq_ref[...],
                           preferred_element_type=jnp.float32)
                   + bqkv_ref[0:1, :]) * SCALE).astype(jnp.bfloat16)


_tcq = pl.pallas_call(
    _tcq_body,
    grid=(N // NBLKQ,),
    in_specs=[
        pl.BlockSpec((NBLKQ, C), lambda i: (i, 0)),
        pl.BlockSpec((C, C), lambda i: (0, 0)),
        pl.BlockSpec((3, C), lambda i: (0, 0)),
    ],
    out_specs=pl.BlockSpec((NBLKQ, C), lambda i: (i, 0)),
    out_shape=jax.ShapeDtypeStruct((N, C), jnp.bfloat16),
    compiler_params=pltpu.CompilerParams(
        dimension_semantics=("arbitrary",)),
)


def kernel(pos, feat, cluster_feat, cluster_score, mean_assignment, mask,
           member_idx, batch_idx, k, valid_row_idx, attend_means,
           W_qkv, b_qkv, W_pos, b_pos, W_proj, b_proj):
    feat2 = feat.reshape(N, C)
    pos2 = pos.reshape(N, D)
    maskf = mask.reshape(N).astype(jnp.float32)
    mi = member_idx.astype(jnp.int32)
    cs = cluster_score.astype(jnp.float32)

    s_flat, msum = _get_sc_build()(mi.reshape(-1), cs.reshape(-1), maskf)

    kk = jnp.asarray(k, jnp.int32).reshape(1, 1)
    bqkv3 = b_qkv.reshape(3, C)
    q2 = _tcq(feat2, W_qkv, bqkv3)
    out = _tc12(kk, msum.reshape(Z, 1), s_flat.reshape(Z, N), feat2, q2,
                pos2, W_qkv, W_qkv, bqkv3, W_pos, W_proj,
                b_proj.reshape(1, C))
    return out.reshape(1, N, C)

# --- scband reference (transcript-rebuilt; emitter-appended) ---
"""Pipeline reference for scband-cluster-attention-79121887527222 (READ-ONLY COPY).

The authoritative reference and input builder live on the scoring server;
editing this copy changes nothing except your own understanding.
"""

import jax, jax.numpy as jnp
import numpy as np

B, N, C, H, D = 1, 8192, 768, 12, 2
K, Z, M = 512, 512, 256
C_ = C // H
SCALE = C_ ** -0.5

def setup_inputs(seed: int = 0):
    key = jax.random.key(seed)
    ks = jax.random.split(key, 12)
    pos = jax.random.uniform(ks[0], (B, N, D), dtype=jnp.float32)
    feat = jax.random.normal(ks[1], (B, N, C), dtype=jnp.float32)
    cluster_feat = jax.random.normal(ks[2], (B, N, C_), dtype=jnp.float32)
    cluster_score = jax.random.uniform(ks[3], (Z, M), dtype=jnp.float32)
    mean_assignment = jax.random.randint(ks[4], (B, N, 1), 0, K)
    mask = jax.random.uniform(ks[5], (B, N, 1), dtype=jnp.float32)
    member_idx = jax.random.randint(ks[6], (Z, M), 0, N)
    batch_idx = jax.random.randint(ks[7], (Z, M), 0, B)
    valid_row_idx = jnp.arange(Z)
    W_qkv = jax.random.normal(ks[8], (C, 3 * C), dtype=jnp.float32) * 0.02
    b_qkv = jnp.zeros((3 * C,), dtype=jnp.float32)
    W_pos = jax.random.normal(ks[9], (D, H), dtype=jnp.float32) * 0.02
    b_pos = jnp.zeros((H,), dtype=jnp.float32)
    W_proj = jax.random.normal(ks[10], (C, C), dtype=jnp.float32) * 0.02
    b_proj = jnp.zeros((C,), dtype=jnp.float32)
    return {"pos": pos, "feat": feat, "cluster_feat": cluster_feat, "cluster_score": cluster_score, "mean_assignment": mean_assignment, "mask": mask, "member_idx": member_idx, "batch_idx": batch_idx, "k": K, "valid_row_idx": valid_row_idx, "attend_means": 1, "W_qkv": W_qkv, "b_qkv": b_qkv, "W_pos": W_pos, "b_pos": b_pos, "W_proj": W_proj, "b_proj": b_proj}

def reference(pos, feat, cluster_feat, cluster_score, mean_assignment, mask, member_idx, batch_idx, k, valid_row_idx, attend_means, W_qkv, b_qkv, W_pos, b_pos, W_proj, b_proj):
    b, n, c = feat.shape
    d = pos.shape[2]
    h = H
    c_ = c // h
    # qkv projection
    qkv = feat @ W_qkv + b_qkv
    qkv = qkv.reshape(b, n, 3, c)
    q = qkv[:, :, 0]
    kv = qkv[:, :, 1:].reshape(b, n, 2 * c)
    pos_orig = pos
    pos_n = pos / jnp.max(pos.reshape(-1, d), axis=0)
    # gather cluster members (SparseCore gather)
    z, m = member_idx.shape
    k_static = z // b
    mi = member_idx.reshape(-1)
    bi = batch_idx.reshape(-1)
    kv_g = kv[bi, mi].reshape(z, m, 2 * c)
    pos_g = pos_n[bi, mi].reshape(z, m, d)
    mask_g = mask[bi, mi].reshape(z, m, 1)
    # attend_means=True path: weighted cluster means
    cs = cluster_score[..., None] * mask_g
    kv_r = (kv_g * cs).sum(1).reshape(b, k_static, 2, h, c_)
    pos_r = (pos_g * cs).sum(1).reshape(b, k_static, d)
    kv_r = jnp.transpose(kv_r, (2, 0, 3, 1, 4))
    key_t, v = kv_r[0], kv_r[1]
    col_valid = (jnp.arange(k_static) < k).astype(jnp.float32).reshape(b, 1, 1, k_static)
    mask2 = (mask_g.sum(1) > 0).astype(jnp.float32).reshape(b, 1, 1, k_static) * col_valid
    qh = q.reshape(b, n, h, c_).transpose(0, 2, 1, 3) * SCALE
    attn = qh @ jnp.swapaxes(key_t, -2, -1)
    rel_pos = pos_r[:, None, :, :] - pos_orig[:, :, None, :]
    pos_bias = rel_pos @ W_pos + b_pos
    attn = attn + jnp.transpose(pos_bias, (0, 3, 1, 2))
    attn = attn + (1.0 - mask2) * (-100.0)
    attn = jax.nn.softmax(attn, axis=-1)
    out = attn @ v
    out = jnp.transpose(out, (0, 2, 1, 3)).reshape(b, n, c)
    out = out @ W_proj + b_proj
    return out

if __name__ == "__main__":
    import jax
    _d = setup_inputs()
    print(jax.jit(kernel)(*tuple(_d.values())))

</pallas_src>

<mosaic_0001>
#map = affine_map<(d0, d1) -> (0)>
module attributes {stable_mosaic.version = 14 : i64} {
  func.func @_sc_body(%arg0: i32, %arg1: i32, %arg2: memref<131072xi32, #tpu.memory_space<hbm>>, %arg3: memref<131072xf32, #tpu.memory_space<hbm>>, %arg4: memref<8192xf32, #tpu.memory_space<hbm>>, %arg5: memref<4194304xf32, #tpu.memory_space<hbm>>, %arg6: memref<512xf32, #tpu.memory_space<hbm>>, %arg7: memref<2048xi32, #tpu.memory_space<vmem>>, %arg8: memref<2048xf32, #tpu.memory_space<vmem>>, %arg9: memref<8192xf32, #tpu.memory_space<vmem>>, %arg10: memref<65536xf32, #tpu.memory_space<vmem>>, %arg11: memref<16xf32, #tpu.memory_space<vmem>>) attributes {dimension_semantics = [#tpu.dimension_semantics<core_parallel>, #tpu.dimension_semantics<subcore_parallel>], iteration_bounds = array<i64: 2, 16>, scalar_prefetch = 0 : i64, scratch_operands = 5 : i64, tpu.core_type = #tpu.core_type<sc_vector_subcore>, window_params = [{transform_indices = #map}, {transform_indices = #map}, {transform_indices = #map}, {transform_indices = #map}, {transform_indices = #map}]} {
    %mul3A = arith.constant 2 : i32
    %mul3A_0 = arith.muli %arg1, %mul3A : i32
    %add3A = arith.addi %mul3A_0, %arg0 : i32
    %iota3A = tpu.iota {dimensions = array<i32: 0>} : vector<16xi32>
    %lt3A = arith.constant 8 : i32
    %lt3A_1 = vector.broadcast %lt3A : i32 to vector<16xi32>
    %lt3A_2 = arith.cmpi slt, %iota3A, %lt3A_1 : vector<16xi32>
    %broadcast_in_dim3A = arith.constant 0.000000e+00 : f32
    %broadcast_in_dim3A_3 = vector.broadcast %broadcast_in_dim3A : f32 to vector<16xf32>
    "tpu.region"() ({
      %run_scoped3A = tpu.sem_alloc : memref<!tpu.dma_semaphore, #tpu.memory_space<semaphore_mem>>
      tpu.enqueue_dma source(%arg4 : memref<8192xf32, #tpu.memory_space<hbm>>) target(%arg9 : memref<8192xf32, #tpu.memory_space<vmem>>) target_semaphore(%run_scoped3A : memref<!tpu.dma_semaphore, #tpu.memory_space<semaphore_mem>>)
      tpu.wait_dma2 semaphore(%run_scoped3A : memref<!tpu.dma_semaphore, #tpu.memory_space<semaphore_mem>>) src(%arg4 : memref<8192xf32, #tpu.memory_space<hbm>>) dst(%arg9 : memref<8192xf32, #tpu.memory_space<vmem>>)
      tpu.yield
    }) : () -> ()
    %add3A_4 = arith.constant 0 : i32
    %add3A_5 = arith.addi %add3A, %add3A_4 : i32
    %mul3A_6 = arith.constant 8 : i32
    %mul3A_7 = arith.muli %add3A_5, %mul3A_6 : i32
    %mul3A_8 = arith.constant 256 : i32
    %mul3A_9 = arith.muli %mul3A_7, %mul3A_8 : i32
    "tpu.region"() ({
      %run_scoped3A = tpu.sem_alloc : memref<!tpu.dma_semaphore, #tpu.memory_space<semaphore_mem>>
      %dma_start3A = tpu.memref_slice %arg2[%mul3A_9] : memref<131072xi32, #tpu.memory_space<hbm>> -> memref<2048xi32, #tpu.memory_space<hbm>>
      %dma_start3A_50 = tpu.memref_slice %arg2[%mul3A_9] : memref<131072xi32, #tpu.memory_space<hbm>> -> memref<2048xi32, #tpu.memory_space<hbm>>
      tpu.enqueue_dma source(%dma_start3A_50 : memref<2048xi32, #tpu.memory_space<hbm>>) target(%arg7 : memref<2048xi32, #tpu.memory_space<vmem>>) target_semaphore(%run_scoped3A : memref<!tpu.dma_semaphore, #tpu.memory_space<semaphore_mem>>)
      %dma_wait3A = tpu.memref_slice %arg2[%mul3A_9] : memref<131072xi32, #tpu.memory_space<hbm>> -> memref<2048xi32, #tpu.memory_space<hbm>>
      %dma_wait3A_51 = tpu.memref_slice %arg2[%mul3A_9] : memref<131072xi32, #tpu.memory_space<hbm>> -> memref<2048xi32, #tpu.memory_space<hbm>>
      tpu.wait_dma2 semaphore(%run_scoped3A : memref<!tpu.dma_semaphore, #tpu.memory_space<semaphore_mem>>) src(%dma_wait3A_51 : memref<2048xi32, #tpu.memory_space<hbm>>) dst(%arg7 : memref<2048xi32, #tpu.memory_space<vmem>>)
      tpu.yield
    }) : () -> ()
    %mul3A_10 = arith.constant 256 : i32
    %mul3A_11 = arith.muli %mul3A_7, %mul3A_10 : i32
    "tpu.region"() ({
      %run_scoped3A = tpu.sem_alloc : memref<!tpu.dma_semaphore, #tpu.memory_space<semaphore_mem>>
      %dma_start3A = tpu.memref_slice %arg3[%mul3A_11] : memref<131072xf32, #tpu.memory_space<hbm>> -> memref<2048xf32, #tpu.memory_space<hbm>>
      %dma_start3A_50 = tpu.memref_slice %arg3[%mul3A_11] : memref<131072xf32, #tpu.memory_space<hbm>> -> memref<2048xf32, #tpu.memory_space<hbm>>
      tpu.enqueue_dma source(%dma_start3A_50 : memref<2048xf32, #tpu.memory_space<hbm>>) target(%arg8 : memref<2048xf32, #tpu.memory_space<vmem>>) target_semaphore(%run_scoped3A : memref<!tpu.dma_semaphore, #tpu.memory_space<semaphore_mem>>)
      %dma_wait3A = tpu.memref_slice %arg3[%mul3A_11] : memref<131072xf32, #tpu.memory_space<hbm>> -> memref<2048xf32, #tpu.memory_space<hbm>>
      %dma_wait3A_51 = tpu.memref_slice %arg3[%mul3A_11] : memref<131072xf32, #tpu.memory_space<hbm>> -> memref<2048xf32, #tpu.memory_space<hbm>>
      tpu.wait_dma2 semaphore(%run_scoped3A : memref<!tpu.dma_semaphore, #tpu.memory_space<semaphore_mem>>) src(%dma_wait3A_51 : memref<2048xf32, #tpu.memory_space<hbm>>) dst(%arg8 : memref<2048xf32, #tpu.memory_space<vmem>>)
      tpu.yield
    }) : () -> ()
    %scan3A = arith.constant 0 : i32
    %scan3A_12 = arith.constant 0 : i32
    %scan3A_13 = arith.constant 4096 : i32
    %scan3A_14 = arith.addi %scan3A_12, %scan3A_13 : i32
    %scan3A_15 = arith.constant 8 : i32
    scf.for %scan3A_50 = %scan3A_12 to %scan3A_14 step %scan3A_15  : i32 {
      %mul3A_51 = arith.constant 16 : i32
      %mul3A_52 = arith.muli %scan3A_50, %mul3A_51 : i32
      %swap3A_53 = arith.index_cast %mul3A_52 : i32 to index
      %swap3A_54 = tpu.vector_load %arg10[%swap3A_53] {strides = array<i32>} : memref<65536xf32, #tpu.memory_space<vmem>>, vector<16xf32>,
      tpu.vector_store %arg10[%swap3A_53], %broadcast_in_dim3A_3 {strides = array<i32>} : memref<65536xf32, #tpu.memory_space<vmem>>, vector<16xf32>,
      %scan3A_55 = arith.constant 1 : i32
      %scan3A_56 = arith.addi %scan3A_50, %scan3A_55 : i32
      %mul3A_57 = arith.constant 16 : i32
      %mul3A_58 = arith.muli %scan3A_56, %mul3A_57 : i32
      %swap3A_59 = arith.index_cast %mul3A_58 : i32 to index
      %swap3A_60 = tpu.vector_load %arg10[%swap3A_59] {strides = array<i32>} : memref<65536xf32, #tpu.memory_space<vmem>>, vector<16xf32>,
      tpu.vector_store %arg10[%swap3A_59], %broadcast_in_dim3A_3 {strides = array<i32>} : memref<65536xf32, #tpu.memory_space<vmem>>, vector<16xf32>,
      %scan3A_61 = arith.constant 2 : i32
      %scan3A_62 = arith.addi %scan3A_50, %scan3A_61 : i32
      %mul3A_63 = arith.constant 16 : i32
      %mul3A_64 = arith.muli %scan3A_62, %mul3A_63 : i32
      %swap3A_65 = arith.index_cast %mul3A_64 : i32 to index
      %swap3A_66 = tpu.vector_load %arg10[%swap3A_65] {strides = array<i32>} : memref<65536xf32, #tpu.memory_space<vmem>>, vector<16xf32>,
      tpu.vector_store %arg10[%swap3A_65], %broadcast_in_dim3A_3 {strides = array<i32>} : memref<65536xf32, #tpu.memory_space<vmem>>, vector<16xf32>,
      %scan3A_67 = arith.constant 3 : i32
      %scan3A_68 = arith.addi %scan3A_50, %scan3A_67 : i32
      %mul3A_69 = arith.constant 16 : i32
      %mul3A_70 = arith.muli %scan3A_68, %mul3A_69 : i32
      %swap3A_71 = arith.index_cast %mul3A_70 : i32 to index
      %swap3A_72 = tpu.vector_load %arg10[%swap3A_71] {strides = array<i32>} : memref<65536xf32, #tpu.memory_space<vmem>>, vector<16xf32>,
      tpu.vector_store %arg10[%swap3A_71], %broadcast_in_dim3A_3 {strides = array<i32>} : memref<65536xf32, #tpu.memory_space<vmem>>, vector<16xf32>,
      %scan3A_73 = arith.constant 4 : i32
      %scan3A_74 = arith.addi %scan3A_50, %scan3A_73 : i32
      %mul3A_75 = arith.constant 16 : i32
      %mul3A_76 = arith.muli %scan3A_74, %mul3A_75 : i32
      %swap3A_77 = arith.index_cast %mul3A_76 : i32 to index
      %swap3A_78 = tpu.vector_load %arg10[%swap3A_77] {strides = array<i32>} : memref<65536xf32, #tpu.memory_space<vmem>>, vector<16xf32>,
      tpu.vector_store %arg10[%swap3A_77], %broadcast_in_dim3A_3 {strides = array<i32>} : memref<65536xf32, #tpu.memory_space<vmem>>, vector<16xf32>,
      %scan3A_79 = arith.constant 5 : i32
      %scan3A_80 = arith.addi %scan3A_50, %scan3A_79 : i32
      %mul3A_81 = arith.constant 16 : i32
      %mul3A_82 = arith.muli %scan3A_80, %mul3A_81 : i32
      %swap3A_83 = arith.index_cast %mul3A_82 : i32 to index
      %swap3A_84 = tpu.vector_load %arg10[%swap3A_83] {strides = array<i32>} : memref<65536xf32, #tpu.memory_space<vmem>>, vector<16xf32>,
      tpu.vector_store %arg10[%swap3A_83], %broadcast_in_dim3A_3 {strides = array<i32>} : memref<65536xf32, #tpu.memory_space<vmem>>, vector<16xf32>,
      %scan3A_85 = arith.constant 6 : i32
      %scan3A_86 = arith.addi %scan3A_50, %scan3A_85 : i32
      %mul3A_87 = arith.constant 16 : i32
      %mul3A_88 = arith.muli %scan3A_86, %mul3A_87 : i32
      %swap3A_89 = arith.index_cast %mul3A_88 : i32 to index
      %swap3A_90 = tpu.vector_load %arg10[%swap3A_89] {strides = array<i32>} : memref<65536xf32, #tpu.memory_space<vmem>>, vector<16xf32>,
      tpu.vector_store %arg10[%swap3A_89], %broadcast_in_dim3A_3 {strides = array<i32>} : memref<65536xf32, #tpu.memory_space<vmem>>, vector<16xf32>,
      %scan3A_91 = arith.constant 7 : i32
      %scan3A_92 = arith.addi %scan3A_50, %scan3A_91 : i32
      %mul3A_93 = arith.constant 16 : i32
      %mul3A_94 = arith.muli %scan3A_92, %mul3A_93 : i32
      %swap3A_95 = arith.index_cast %mul3A_94 : i32 to index
      %swap3A_96 = tpu.vector_load %arg10[%swap3A_95] {strides = array<i32>} : memref<65536xf32, #tpu.memory_space<vmem>>, vector<16xf32>,
      tpu.vector_store %arg10[%swap3A_95], %broadcast_in_dim3A_3 {strides = array<i32>} : memref<65536xf32, #tpu.memory_space<vmem>>, vector<16xf32>,
    }
    %scan3A_16 = arith.constant 4096 : i32
    %scan3A_17 = arith.constant 0 : i32
    %scan3A_18 = arith.constant 256 : i32
    %scan3A_19 = arith.addi %scan3A_17, %scan3A_18 : i32
    %scan3A_20 = arith.constant 4 : i32
    %scan3A_21 = scf.for %scan3A_50 = %scan3A_17 to %scan3A_19 step %scan3A_20 iter_args(%scan3A_51 = %broadcast_in_dim3A_3) -> (vector<16xf32>)  : i32 {
      %mul3A_52 = arith.constant 256 : i32
      %mul3A_53 = vector.broadcast %mul3A_52 : i32 to vector<16xi32>
      %mul3A_54 = arith.muli %iota3A, %mul3A_53 : vector<16xi32>
      %add3A_55 = vector.broadcast %scan3A_50 : i32 to vector<16xi32>
      %add3A_56 = arith.addi %mul3A_54, %add3A_55 : vector<16xi32>
      %gather3A = tpu.vector_load_idx %arg7[%add3A_56] masked %lt3A_2 : memref<2048xi32, #tpu.memory_space<vmem>>[vector<16xi32>], vector<16xi32>, vector<16xi1>
      %jit3A = arith.constant 0 : i32
      %broadcast_in_dim3A_57 = vector.broadcast %jit3A : i32 to vector<16xi32>
      %select_n3A = arith.select %lt3A_2, %gather3A, %broadcast_in_dim3A_57 : vector<16xi1>, vector<16xi32>
      %gather3A_58 = tpu.vector_load_idx %arg8[%add3A_56] masked %lt3A_2 : memref<2048xf32, #tpu.memory_space<vmem>>[vector<16xi32>], vector<16xf32>, vector<16xi1>
      %gather3A_59 = tpu.vector_load_idx %arg9[%select_n3A] masked %lt3A_2 : memref<8192xf32, #tpu.memory_space<vmem>>[vector<16xi32>], vector<16xf32>, vector<16xi1>
      %mul3A_60 = arith.mulf %gather3A_58, %gather3A_59 : vector<16xf32>
      %mul3A_61 = arith.constant 8192 : i32
      %mul3A_62 = vector.broadcast %mul3A_61 : i32 to vector<16xi32>
      %mul3A_63 = arith.muli %iota3A, %mul3A_62 : vector<16xi32>
      %add3A_64 = arith.addi %mul3A_63, %select_n3A : vector<16xi32>
      tpu.vector_store_idx %arg10[%add3A_64], %mul3A_60 masked %lt3A_2 {add = true} : memref<65536xf32, #tpu.memory_space<vmem>>[vector<16xi32>], vector<16xf32>, vector<16xi1>
      %jit3A_65 = arith.constant 0.000000e+00 : f32
      %broadcast_in_dim3A_66 = vector.broadcast %jit3A_65 : f32 to vector<16xf32>
      %select_n3A_67 = arith.select %lt3A_2, %gather3A_59, %broadcast_in_dim3A_66 : vector<16xi1>, vector<16xf32>
      %add3A_68 = arith.addf %scan3A_51, %select_n3A_67 : vector<16xf32>
      %scan3A_69 = arith.constant 1 : i32
      %scan3A_70 = arith.addi %scan3A_50, %scan3A_69 : i32
      %mul3A_71 = arith.constant 256 : i32
      %mul3A_72 = vector.broadcast %mul3A_71 : i32 to vector<16xi32>
      %mul3A_73 = arith.muli %iota3A, %mul3A_72 : vector<16xi32>
      %add3A_74 = vector.broadcast %scan3A_70 : i32 to vector<16xi32>
      %add3A_75 = arith.addi %mul3A_73, %add3A_74 : vector<16xi32>
      %gather3A_76 = tpu.vector_load_idx %arg7[%add3A_75] masked %lt3A_2 : memref<2048xi32, #tpu.memory_space<vmem>>[vector<16xi32>], vector<16xi32>, vector<16xi1>
      %jit3A_77 = arith.constant 0 : i32
      %broadcast_in_dim3A_78 = vector.broadcast %jit3A_77 : i32 to vector<16xi32>
      %select_n3A_79 = arith.select %lt3A_2, %gather3A_76, %broadcast_in_dim3A_78 : vector<16xi1>, vector<16xi32>
      %gather3A_80 = tpu.vector_load_idx %arg8[%add3A_75] masked %lt3A_2 : memref<2048xf32, #tpu.memory_space<vmem>>[vector<16xi32>], vector<16xf32>, vector<16xi1>
      %gather3A_81 = tpu.vector_load_idx %arg9[%select_n3A_79] masked %lt3A_2 : memref<8192xf32, #tpu.memory_space<vmem>>[vector<16xi32>], vector<16xf32>, vector<16xi1>
      %mul3A_82 = arith.mulf %gather3A_80, %gather3A_81 : vector<16xf32>
      %mul3A_83 = arith.constant 8192 : i32
      %mul3A_84 = vector.broadcast %mul3A_83 : i32 to vector<16xi32>
      %mul3A_85 = arith.muli %iota3A, %mul3A_84 : vector<16xi32>
      %add3A_86 = arith.addi %mul3A_85, %select_n3A_79 : vector<16xi32>
      tpu.vector_store_idx %arg10[%add3A_86], %mul3A_82 masked %lt3A_2 {add = true} : memref<65536xf32, #tpu.memory_space<vmem>>[vector<16xi32>], vector<16xf32>, vector<16xi1>
      %jit3A_87 = arith.constant 0.000000e+00 : f32
      %broadcast_in_dim3A_88 = vector.broadcast %jit3A_87 : f32 to vector<16xf32>
      %select_n3A_89 = arith.select %lt3A_2, %gather3A_81, %broadcast_in_dim3A_88 : vector<16xi1>, vector<16xf32>
      %add3A_90 = arith.addf %add3A_68, %select_n3A_89 : vector<16xf32>
      %scan3A_91 = arith.constant 2 : i32
      %scan3A_92 = arith.addi %scan3A_50, %scan3A_91 : i32
      %mul3A_93 = arith.constant 256 : i32
      %mul3A_94 = vector.broadcast %mul3A_93 : i32 to vector<16xi32>
      %mul3A_95 = arith.muli %iota3A, %mul3A_94 : vector<16xi32>
      %add3A_96 = vector.broadcast %scan3A_92 : i32 to vector<16xi32>
      %add3A_97 = arith.addi %mul3A_95, %add3A_96 : vector<16xi32>
      %gather3A_98 = tpu.vector_load_idx %arg7[%add3A_97] masked %lt3A_2 : memref<2048xi32, #tpu.memory_space<vmem>>[vector<16xi32>], vector<16xi32>, vector<16xi1>
      %jit3A_99 = arith.constant 0 : i32
      %broadcast_in_dim3A_100 = vector.broadcast %jit3A_99 : i32 to vector<16xi32>
      %select_n3A_101 = arith.select %lt3A_2, %gather3A_98, %broadcast_in_dim3A_100 : vector<16xi1>, vector<16xi32>
      %gather3A_102 = tpu.vector_load_idx %arg8[%add3A_97] masked %lt3A_2 : memref<2048xf32, #tpu.memory_space<vmem>>[vector<16xi32>], vector<16xf32>, vector<16xi1>
      %gather3A_103 = tpu.vector_load_idx %arg9[%select_n3A_101] masked %lt3A_2 : memref<8192xf32, #tpu.memory_space<vmem>>[vector<16xi32>], vector<16xf32>, vector<16xi1>
      %mul3A_104 = arith.mulf %gather3A_102, %gather3A_103 : vector<16xf32>
      %mul3A_105 = arith.constant 8192 : i32
      %mul3A_106 = vector.broadcast %mul3A_105 : i32 to vector<16xi32>
      %mul3A_107 = arith.muli %iota3A, %mul3A_106 : vector<16xi32>
      %add3A_108 = arith.addi %mul3A_107, %select_n3A_101 : vector<16xi32>
      tpu.vector_store_idx %arg10[%add3A_108], %mul3A_104 masked %lt3A_2 {add = true} : memref<65536xf32, #tpu.memory_space<vmem>>[vector<16xi32>], vector<16xf32>, vector<16xi1>
      %jit3A_109 = arith.constant 0.000000e+00 : f32
      %broadcast_in_dim3A_110 = vector.broadcast %jit3A_109 : f32 to vector<16xf32>
      %select_n3A_111 = arith.select %lt3A_2, %gather3A_103, %broadcast_in_dim3A_110 : vector<16xi1>, vector<16xf32>
      %add3A_112 = arith.addf %add3A_90, %select_n3A_111 : vector<16xf32>
      %scan3A_113 = arith.constant 3 : i32
      %scan3A_114 = arith.addi %scan3A_50, %scan3A_113 : i32
      %mul3A_115 = arith.constant 256 : i32
      %mul3A_116 = vector.broadcast %mul3A_115 : i32 to vector<16xi32>
      %mul3A_117 = arith.muli %iota3A, %mul3A_116 : vector<16xi32>
      %add3A_118 = vector.broadcast %scan3A_114 : i32 to vector<16xi32>
      %add3A_119 = arith.addi %mul3A_117, %add3A_118 : vector<16xi32>
      %gather3A_120 = tpu.vector_load_idx %arg7[%add3A_119] masked %lt3A_2 : memref<2048xi32, #tpu.memory_space<vmem>>[vector<16xi32>], vector<16xi32>, vector<16xi1>
      %jit3A_121 = arith.constant 0 : i32
      %broadcast_in_dim3A_122 = vector.broadcast %jit3A_121 : i32 to vector<16xi32>
      %select_n3A_123 = arith.select %lt3A_2, %gather3A_120, %broadcast_in_dim3A_122 : vector<16xi1>, vector<16xi32>
      %gather3A_124 = tpu.vector_load_idx %arg8[%add3A_119] masked %lt3A_2 : memref<2048xf32, #tpu.memory_space<vmem>>[vector<16xi32>], vector<16xf32>, vector<16xi1>
      %gather3A_125 = tpu.vector_load_idx %arg9[%select_n3A_123] masked %lt3A_2 : memref<8192xf32, #tpu.memory_space<vmem>>[vector<16xi32>], vector<16xf32>, vector<16xi1>
      %mul3A_126 = arith.mulf %gather3A_124, %gather3A_125 : vector<16xf32>
      %mul3A_127 = arith.constant 8192 : i32
      %mul3A_128 = vector.broadcast %mul3A_127 : i32 to vector<16xi32>
      %mul3A_129 = arith.muli %iota3A, %mul3A_128 : vector<16xi32>
      %add3A_130 = arith.addi %mul3A_129, %select_n3A_123 : vector<16xi32>
      tpu.vector_store_idx %arg10[%add3A_130], %mul3A_126 masked %lt3A_2 {add = true} : memref<65536xf32, #tpu.memory_space<vmem>>[vector<16xi32>], vector<16xf32>, vector<16xi1>
      %jit3A_131 = arith.constant 0.000000e+00 : f32
      %broadcast_in_dim3A_132 = vector.broadcast %jit3A_131 : f32 to vector<16xf32>
      %select_n3A_133 = arith.select %lt3A_2, %gather3A_125, %broadcast_in_dim3A_132 : vector<16xi1>, vector<16xf32>
      %add3A_134 = arith.addf %add3A_112, %select_n3A_133 : vector<16xf32>
      scf.yield %add3A_134 : vector<16xf32>
    }
    %scan3A_22 = arith.constant 256 : i32
    %swap3A = arith.constant 0 : index
    %swap3A_23 = tpu.vector_load %arg11[%swap3A] {strides = array<i32>} : memref<16xf32, #tpu.memory_space<vmem>>, vector<16xf32>,
    tpu.vector_store %arg11[%swap3A], %scan3A_21 {strides = array<i32>} : memref<16xf32, #tpu.memory_space<vmem>>, vector<16xf32>,
    %mul3A_24 = arith.constant 8192 : i32
    %mul3A_25 = arith.muli %mul3A_7, %mul3A_24 : i32
    "tpu.region"() ({
      %run_scoped3A = tpu.sem_alloc : memref<!tpu.dma_semaphore, #tpu.memory_space<semaphore_mem>>
      %dma_start3A = tpu.memref_slice %arg5[%mul3A_25] : memref<4194304xf32, #tpu.memory_space<hbm>> -> memref<65536xf32, #tpu.memory_space<hbm>>
      %dma_start3A_50 = tpu.memref_slice %arg5[%mul3A_25] : memref<4194304xf32, #tpu.memory_space<hbm>> -> memref<65536xf32, #tpu.memory_space<hbm>>
      tpu.enqueue_dma source(%arg10 : memref<65536xf32, #tpu.memory_space<vmem>>) target(%dma_start3A_50 : memref<65536xf32, #tpu.memory_space<hbm>>) target_semaphore(%run_scoped3A : memref<!tpu.dma_semaphore, #tpu.memory_space<semaphore_mem>>)
      %dma_wait3A = tpu.memref_slice %arg5[%mul3A_25] : memref<4194304xf32, #tpu.memory_space<hbm>> -> memref<65536xf32, #tpu.memory_space<hbm>>
      %dma_wait3A_51 = tpu.memref_slice %arg5[%mul3A_25] : memref<4194304xf32, #tpu.memory_space<hbm>> -> memref<65536xf32, #tpu.memory_space<hbm>>
      tpu.wait_dma2 semaphore(%run_scoped3A : memref<!tpu.dma_semaphore, #tpu.memory_space<semaphore_mem>>) src(%arg10 : memref<65536xf32, #tpu.memory_space<vmem>>) dst(%dma_wait3A_51 : memref<65536xf32, #tpu.memory_space<hbm>>)
      tpu.yield
    }) : () -> ()
    "tpu.region"() ({
      %run_scoped3A = tpu.sem_alloc : memref<!tpu.dma_semaphore, #tpu.memory_space<semaphore_mem>>
      %dma_start3A = arith.constant 0 : i32
      %dma_start3A_50 = tpu.memref_slice %arg11[%dma_start3A] : memref<16xf32, #tpu.memory_space<vmem>> -> memref<8xf32, #tpu.memory_space<vmem>>
      %dma_start3A_51 = tpu.memref_slice %arg6[%mul3A_7] : memref<512xf32, #tpu.memory_space<hbm>> -> memref<8xf32, #tpu.memory_space<hbm>>
      %dma_start3A_52 = tpu.memref_slice %arg6[%mul3A_7] : memref<512xf32, #tpu.memory_space<hbm>> -> memref<8xf32, #tpu.memory_space<hbm>>
      %dma_start3A_53 = arith.constant 0 : i32
      %dma_start3A_54 = tpu.memref_slice %arg11[%dma_start3A_53] : memref<16xf32, #tpu.memory_space<vmem>> -> memref<8xf32, #tpu.memory_space<vmem>>
      tpu.enqueue_dma source(%dma_start3A_54 : memref<8xf32, #tpu.memory_space<vmem>>) target(%dma_start3A_52 : memref<8xf32, #tpu.memory_space<hbm>>) target_semaphore(%run_scoped3A : memref<!tpu.dma_semaphore, #tpu.memory_space<semaphore_mem>>)
      %dma_wait3A = arith.constant 0 : i32
      %dma_wait3A_55 = tpu.memref_slice %arg11[%dma_wait3A] : memref<16xf32, #tpu.memory_space<vmem>> -> memref<8xf32, #tpu.memory_space<vmem>>
      %dma_wait3A_56 = tpu.memref_slice %arg6[%mul3A_7] : memref<512xf32, #tpu.memory_space<hbm>> -> memref<8xf32, #tpu.memory_space<hbm>>
      %dma_wait3A_57 = tpu.memref_slice %arg6[%mul3A_7] : memref<512xf32, #tpu.memory_space<hbm>> -> memref<8xf32, #tpu.memory_space<hbm>>
      %dma_wait3A_58 = arith.constant 0 : i32
      %dma_wait3A_59 = tpu.memref_slice %arg11[%dma_wait3A_58] : memref<16xf32, #tpu.memory_space<vmem>> -> memref<8xf32, #tpu.memory_space<vmem>>
      tpu.wait_dma2 semaphore(%run_scoped3A : memref<!tpu.dma_semaphore, #tpu.memory_space<semaphore_mem>>) src(%dma_wait3A_59 : memref<8xf32, #tpu.memory_space<vmem>>) dst(%dma_wait3A_57 : memref<8xf32, #tpu.memory_space<hbm>>)
      tpu.yield
    }) : () -> ()
    %scan3A_26 = arith.constant 0 : i32
    %scan3A_27 = arith.constant 0 : i32
    %scan3A_28 = arith.constant 256 : i32
    %scan3A_29 = arith.addi %scan3A_27, %scan3A_28 : i32
    %scan3A_30 = arith.constant 4 : i32
    scf.for %scan3A_50 = %scan3A_27 to %scan3A_29 step %scan3A_30  : i32 {
      %mul3A_51 = arith.constant 256 : i32
      %mul3A_52 = vector.broadcast %mul3A_51 : i32 to vector<16xi32>
      %mul3A_53 = arith.muli %iota3A, %mul3A_52 : vector<16xi32>
      %add3A_54 = vector.broadcast %scan3A_50 : i32 to vector<16xi32>
      %add3A_55 = arith.addi %mul3A_53, %add3A_54 : vector<16xi32>
      %gather3A = tpu.vector_load_idx %arg7[%add3A_55] masked %lt3A_2 : memref<2048xi32, #tpu.memory_space<vmem>>[vector<16xi32>], vector<16xi32>, vector<16xi1>
      %jit3A = arith.constant 0 : i32
      %broadcast_in_dim3A_56 = vector.broadcast %jit3A : i32 to vector<16xi32>
      %select_n3A = arith.select %lt3A_2, %gather3A, %broadcast_in_dim3A_56 : vector<16xi1>, vector<16xi32>
      %mul3A_57 = arith.constant 8192 : i32
      %mul3A_58 = vector.broadcast %mul3A_57 : i32 to vector<16xi32>
      %mul3A_59 = arith.muli %iota3A, %mul3A_58 : vector<16xi32>
      %add3A_60 = arith.addi %mul3A_59, %select_n3A : vector<16xi32>
      tpu.vector_store_idx %arg10[%add3A_60], %broadcast_in_dim3A_3 masked %lt3A_2 : memref<65536xf32, #tpu.memory_space<vmem>>[vector<16xi32>], vector<16xf32>, vector<16xi1>
      %scan3A_61 = arith.constant 1 : i32
      %scan3A_62 = arith.addi %scan3A_50, %scan3A_61 : i32
      %mul3A_63 = arith.constant 256 : i32
      %mul3A_64 = vector.broadcast %mul3A_63 : i32 to vector<16xi32>
      %mul3A_65 = arith.muli %iota3A, %mul3A_64 : vector<16xi32>
      %add3A_66 = vector.broadcast %scan3A_62 : i32 to vector<16xi32>
      %add3A_67 = arith.addi %mul3A_65, %add3A_66 : vector<16xi32>
      %gather3A_68 = tpu.vector_load_idx %arg7[%add3A_67] masked %lt3A_2 : memref<2048xi32, #tpu.memory_space<vmem>>[vector<16xi32>], vector<16xi32>, vector<16xi1>
      %jit3A_69 = arith.constant 0 : i32
      %broadcast_in_dim3A_70 = vector.broadcast %jit3A_69 : i32 to vector<16xi32>
      %select_n3A_71 = arith.select %lt3A_2, %gather3A_68, %broadcast_in_dim3A_70 : vector<16xi1>, vector<16xi32>
      %mul3A_72 = arith.constant 8192 : i32
      %mul3A_73 = vector.broadcast %mul3A_72 : i32 to vector<16xi32>
      %mul3A_74 = arith.muli %iota3A, %mul3A_73 : vector<16xi32>
      %add3A_75 = arith.addi %mul3A_74, %select_n3A_71 : vector<16xi32>
      tpu.vector_store_idx %arg10[%add3A_75], %broadcast_in_dim3A_3 masked %lt3A_2 : memref<65536xf32, #tpu.memory_space<vmem>>[vector<16xi32>], vector<16xf32>, vector<16xi1>
      %scan3A_76 = arith.constant 2 : i32
      %scan3A_77 = arith.addi %scan3A_50, %scan3A_76 : i32
      %mul3A_78 = arith.constant 256 : i32
      %mul3A_79 = vector.broadcast %mul3A_78 : i32 to vector<16xi32>
      %mul3A_80 = arith.muli %iota3A, %mul3A_79 : vector<16xi32>
      %add3A_81 = vector.broadcast %scan3A_77 : i32 to vector<16xi32>
      %add3A_82 = arith.addi %mul3A_80, %add3A_81 : vector<16xi32>
      %gather3A_83 = tpu.vector_load_idx %arg7[%add3A_82] masked %lt3A_2 : memref<2048xi32, #tpu.memory_space<vmem>>[vector<16xi32>], vector<16xi32>, vector<16xi1>
      %jit3A_84 = arith.constant 0 : i32
      %broadcast_in_dim3A_85 = vector.broadcast %jit3A_84 : i32 to vector<16xi32>
      %select_n3A_86 = arith.select %lt3A_2, %gather3A_83, %broadcast_in_dim3A_85 : vector<16xi1>, vector<16xi32>
      %mul3A_87 = arith.constant 8192 : i32
      %mul3A_88 = vector.broadcast %mul3A_87 : i32 to vector<16xi32>
      %mul3A_89 = arith.muli %iota3A, %mul3A_88 : vector<16xi32>
      %add3A_90 = arith.addi %mul3A_89, %select_n3A_86 : vector<16xi32>
      tpu.vector_store_idx %arg10[%add3A_90], %broadcast_in_dim3A_3 masked %lt3A_2 : memref<65536xf32, #tpu.memory_space<vmem>>[vector<16xi32>], vector<16xf32>, vector<16xi1>
      %scan3A_91 = arith.constant 3 : i32
      %scan3A_92 = arith.addi %scan3A_50, %scan3A_91 : i32
      %mul3A_93 = arith.constant 256 : i32
      %mul3A_94 = vector.broadcast %mul3A_93 : i32 to vector<16xi32>
      %mul3A_95 = arith.muli %iota3A, %mul3A_94 : vector<16xi32>
      %add3A_96 = vector.broadcast %scan3A_92 : i32 to vector<16xi32>
      %add3A_97 = arith.addi %mul3A_95, %add3A_96 : vector<16xi32>
      %gather3A_98 = tpu.vector_load_idx %arg7[%add3A_97] masked %lt3A_2 : memref<2048xi32, #tpu.memory_space<vmem>>[vector<16xi32>], vector<16xi32>, vector<16xi1>
      %jit3A_99 = arith.constant 0 : i32
      %broadcast_in_dim3A_100 = vector.broadcast %jit3A_99 : i32 to vector<16xi32>
      %select_n3A_101 = arith.select %lt3A_2, %gather3A_98, %broadcast_in_dim3A_100 : vector<16xi1>, vector<16xi32>
      %mul3A_102 = arith.constant 8192 : i32
      %mul3A_103 = vector.broadcast %mul3A_102 : i32 to vector<16xi32>
      %mul3A_104 = arith.muli %iota3A, %mul3A_103 : vector<16xi32>
      %add3A_105 = arith.addi %mul3A_104, %select_n3A_101 : vector<16xi32>
      tpu.vector_store_idx %arg10[%add3A_105], %broadcast_in_dim3A_3 masked %lt3A_2 : memref<65536xf32, #tpu.memory_space<vmem>>[vector<16xi32>], vector<16xf32>, vector<16xi1>
    }
    %scan3A_31 = arith.constant 256 : i32
    %add3A_32 = arith.constant 32 : i32
    %add3A_33 = arith.addi %add3A, %add3A_32 : i32
    %mul3A_34 = arith.constant 8 : i32
    %mul3A_35 = arith.muli %add3A_33, %mul3A_34 : i32
    %mul3A_36 = arith.constant 256 : i32
    %mul3A_37 = arith.muli %mul3A_35, %mul3A_36 : i32
    "tpu.region"() ({
      %run_scoped3A = tpu.sem_alloc : memref<!tpu.dma_semaphore, #tpu.memory_space<semaphore_mem>>
      %dma_start3A = tpu.memref_slice %arg2[%mul3A_37] : memref<131072xi32, #tpu.memory_space<hbm>> -> memref<2048xi32, #tpu.memory_space<hbm>>
      %dma_start3A_50 = tpu.memref_slice %arg2[%mul3A_37] : memref<131072xi32, #tpu.memory_space<hbm>> -> memref<2048xi32, #tpu.memory_space<hbm>>
      tpu.enqueue_dma source(%dma_start3A_50 : memref<2048xi32, #tpu.memory_space<hbm>>) target(%arg7 : memref<2048xi32, #tpu.memory_space<vmem>>) target_semaphore(%run_scoped3A : memref<!tpu.dma_semaphore, #tpu.memory_space<semaphore_mem>>)
      %dma_wait3A = tpu.memref_slice %arg2[%mul3A_37] : memref<131072xi32, #tpu.memory_space<hbm>> -> memref<2048xi32, #tpu.memory_space<hbm>>
      %dma_wait3A_51 = tpu.memref_slice %arg2[%mul3A_37] : memref<131072xi32, #tpu.memory_space<hbm>> -> memref<2048xi32, #tpu.memory_space<hbm>>
      tpu.wait_dma2 semaphore(%run_scoped3A : memref<!tpu.dma_semaphore, #tpu.memory_space<semaphore_mem>>) src(%dma_wait3A_51 : memref<2048xi32, #tpu.memory_space<hbm>>) dst(%arg7 : memref<2048xi32, #tpu.memory_space<vmem>>)
      tpu.yield
    }) : () -> ()
    %mul3A_38 = arith.constant 256 : i32
    %mul3A_39 = arith.muli %mul3A_35, %mul3A_38 : i32
    "tpu.region"() ({
      %run_scoped3A = tpu.sem_alloc : memref<!tpu.dma_semaphore, #tpu.memory_space<semaphore_mem>>
      %dma_start3A = tpu.memref_slice %arg3[%mul3A_39] : memref<131072xf32, #tpu.memory_space<hbm>> -> memref<2048xf32, #tpu.memory_space<hbm>>
      %dma_start3A_50 = tpu.memref_slice %arg3[%mul3A_39] : memref<131072xf32, #tpu.memory_space<hbm>> -> memref<2048xf32, #tpu.memory_space<hbm>>
      tpu.enqueue_dma source(%dma_start3A_50 : memref<2048xf32, #tpu.memory_space<hbm>>) target(%arg8 : memref<2048xf32, #tpu.memory_space<vmem>>) target_semaphore(%run_scoped3A : memref<!tpu.dma_semaphore, #tpu.memory_space<semaphore_mem>>)
      %dma_wait3A = tpu.memref_slice %arg3[%mul3A_39] : memref<131072xf32, #tpu.memory_space<hbm>> -> memref<2048xf32, #tpu.memory_space<hbm>>
      %dma_wait3A_51 = tpu.memref_slice %arg3[%mul3A_39] : memref<131072xf32, #tpu.memory_space<hbm>> -> memref<2048xf32, #tpu.memory_space<hbm>>
      tpu.wait_dma2 semaphore(%run_scoped3A : memref<!tpu.dma_semaphore, #tpu.memory_space<semaphore_mem>>) src(%dma_wait3A_51 : memref<2048xf32, #tpu.memory_space<hbm>>) dst(%arg8 : memref<2048xf32, #tpu.memory_space<vmem>>)
      tpu.yield
    }) : () -> ()
    %scan3A_40 = arith.constant 0 : i32
    %scan3A_41 = arith.constant 256 : i32
    %scan3A_42 = arith.addi %scan3A_40, %scan3A_41 : i32
    %scan3A_43 = arith.constant 4 : i32
    %scan3A_44 = scf.for %scan3A_50 = %scan3A_40 to %scan3A_42 step %scan3A_43 iter_args(%scan3A_51 = %broadcast_in_dim3A_3) -> (vector<16xf32>)  : i32 {
      %mul3A_52 = arith.constant 256 : i32
      %mul3A_53 = vector.broadcast %mul3A_52 : i32 to vector<16xi32>
      %mul3A_54 = arith.muli %iota3A, %mul3A_53 : vector<16xi32>
      %add3A_55 = vector.broadcast %scan3A_50 : i32 to vector<16xi32>
      %add3A_56 = arith.addi %mul3A_54, %add3A_55 : vector<16xi32>
      %gather3A = tpu.vector_load_idx %arg7[%add3A_56] masked %lt3A_2 : memref<2048xi32, #tpu.memory_space<vmem>>[vector<16xi32>], vector<16xi32>, vector<16xi1>
      %jit3A = arith.constant 0 : i32
      %broadcast_in_dim3A_57 = vector.broadcast %jit3A : i32 to vector<16xi32>
      %select_n3A = arith.select %lt3A_2, %gather3A, %broadcast_in_dim3A_57 : vector<16xi1>, vector<16xi32>
      %gather3A_58 = tpu.vector_load_idx %arg8[%add3A_56] masked %lt3A_2 : memref<2048xf32, #tpu.memory_space<vmem>>[vector<16xi32>], vector<16xf32>, vector<16xi1>
      %gather3A_59 = tpu.vector_load_idx %arg9[%select_n3A] masked %lt3A_2 : memref<8192xf32, #tpu.memory_space<vmem>>[vector<16xi32>], vector<16xf32>, vector<16xi1>
      %mul3A_60 = arith.mulf %gather3A_58, %gather3A_59 : vector<16xf32>
      %mul3A_61 = arith.constant 8192 : i32
      %mul3A_62 = vector.broadcast %mul3A_61 : i32 to vector<16xi32>
      %mul3A_63 = arith.muli %iota3A, %mul3A_62 : vector<16xi32>
      %add3A_64 = arith.addi %mul3A_63, %select_n3A : vector<16xi32>
      tpu.vector_store_idx %arg10[%add3A_64], %mul3A_60 masked %lt3A_2 {add = true} : memref<65536xf32, #tpu.memory_space<vmem>>[vector<16xi32>], vector<16xf32>, vector<16xi1>
      %jit3A_65 = arith.constant 0.000000e+00 : f32
      %broadcast_in_dim3A_66 = vector.broadcast %jit3A_65 : f32 to vector<16xf32>
      %select_n3A_67 = arith.select %lt3A_2, %gather3A_59, %broadcast_in_dim3A_66 : vector<16xi1>, vector<16xf32>
      %add3A_68 = arith.addf %scan3A_51, %select_n3A_67 : vector<16xf32>
      %scan3A_69 = arith.constant 1 : i32
      %scan3A_70 = arith.addi %scan3A_50, %scan3A_69 : i32
      %mul3A_71 = arith.constant 256 : i32
      %mul3A_72 = vector.broadcast %mul3A_71 : i32 to vector<16xi32>
      %mul3A_73 = arith.muli %iota3A, %mul3A_72 : vector<16xi32>
      %add3A_74 = vector.broadcast %scan3A_70 : i32 to vector<16xi32>
      %add3A_75 = arith.addi %mul3A_73, %add3A_74 : vector<16xi32>
      %gather3A_76 = tpu.vector_load_idx %arg7[%add3A_75] masked %lt3A_2 : memref<2048xi32, #tpu.memory_space<vmem>>[vector<16xi32>], vector<16xi32>, vector<16xi1>
      %jit3A_77 = arith.constant 0 : i32
      %broadcast_in_dim3A_78 = vector.broadcast %jit3A_77 : i32 to vector<16xi32>
      %select_n3A_79 = arith.select %lt3A_2, %gather3A_76, %broadcast_in_dim3A_78 : vector<16xi1>, vector<16xi32>
      %gather3A_80 = tpu.vector_load_idx %arg8[%add3A_75] masked %lt3A_2 : memref<2048xf32, #tpu.memory_space<vmem>>[vector<16xi32>], vector<16xf32>, vector<16xi1>
      %gather3A_81 = tpu.vector_load_idx %arg9[%select_n3A_79] masked %lt3A_2 : memref<8192xf32, #tpu.memory_space<vmem>>[vector<16xi32>], vector<16xf32>, vector<16xi1>
      %mul3A_82 = arith.mulf %gather3A_80, %gather3A_81 : vector<16xf32>
      %mul3A_83 = arith.constant 8192 : i32
      %mul3A_84 = vector.broadcast %mul3A_83 : i32 to vector<16xi32>
      %mul3A_85 = arith.muli %iota3A, %mul3A_84 : vector<16xi32>
      %add3A_86 = arith.addi %mul3A_85, %select_n3A_79 : vector<16xi32>
      tpu.vector_store_idx %arg10[%add3A_86], %mul3A_82 masked %lt3A_2 {add = true} : memref<65536xf32, #tpu.memory_space<vmem>>[vector<16xi32>], vector<16xf32>, vector<16xi1>
      %jit3A_87 = arith.constant 0.000000e+00 : f32
      %broadcast_in_dim3A_88 = vector.broadcast %jit3A_87 : f32 to vector<16xf32>
      %select_n3A_89 = arith.select %lt3A_2, %gather3A_81, %broadcast_in_dim3A_88 : vector<16xi1>, vector<16xf32>
      %add3A_90 = arith.addf %add3A_68, %select_n3A_89 : vector<16xf32>
      %scan3A_91 = arith.constant 2 : i32
      %scan3A_92 = arith.addi %scan3A_50, %scan3A_91 : i32
      %mul3A_93 = arith.constant 256 : i32
      %mul3A_94 = vector.broadcast %mul3A_93 : i32 to vector<16xi32>
      %mul3A_95 = arith.muli %iota3A, %mul3A_94 : vector<16xi32>
      %add3A_96 = vector.broadcast %scan3A_92 : i32 to vector<16xi32>
      %add3A_97 = arith.addi %mul3A_95, %add3A_96 : vector<16xi32>
      %gather3A_98 = tpu.vector_load_idx %arg7[%add3A_97] masked %lt3A_2 : memref<2048xi32, #tpu.memory_space<vmem>>[vector<16xi32>], vector<16xi32>, vector<16xi1>
      %jit3A_99 = arith.constant 0 : i32
      %broadcast_in_dim3A_100 = vector.broadcast %jit3A_99 : i32 to vector<16xi32>
      %select_n3A_101 = arith.select %lt3A_2, %gather3A_98, %broadcast_in_dim3A_100 : vector<16xi1>, vector<16xi32>
      %gather3A_102 = tpu.vector_load_idx %arg8[%add3A_97] masked %lt3A_2 : memref<2048xf32, #tpu.memory_space<vmem>>[vector<16xi32>], vector<16xf32>, vector<16xi1>
      %gather3A_103 = tpu.vector_load_idx %arg9[%select_n3A_101] masked %lt3A_2 : memref<8192xf32, #tpu.memory_space<vmem>>[vector<16xi32>], vector<16xf32>, vector<16xi1>
      %mul3A_104 = arith.mulf %gather3A_102, %gather3A_103 : vector<16xf32>
      %mul3A_105 = arith.constant 8192 : i32
      %mul3A_106 = vector.broadcast %mul3A_105 : i32 to vector<16xi32>
      %mul3A_107 = arith.muli %iota3A, %mul3A_106 : vector<16xi32>
      %add3A_108 = arith.addi %mul3A_107, %select_n3A_101 : vector<16xi32>
      tpu.vector_store_idx %arg10[%add3A_108], %mul3A_104 masked %lt3A_2 {add = true} : memref<65536xf32, #tpu.memory_space<vmem>>[vector<16xi32>], vector<16xf32>, vector<16xi1>
      %jit3A_109 = arith.constant 0.000000e+00 : f32
      %broadcast_in_dim3A_110 = vector.broadcast %jit3A_109 : f32 to vector<16xf32>
      %select_n3A_111 = arith.select %lt3A_2, %gather3A_103, %broadcast_in_dim3A_110 : vector<16xi1>, vector<16xf32>
      %add3A_112 = arith.addf %add3A_90, %select_n3A_111 : vector<16xf32>
      %scan3A_113 = arith.constant 3 : i32
      %scan3A_114 = arith.addi %scan3A_50, %scan3A_113 : i32
      %mul3A_115 = arith.constant 256 : i32
      %mul3A_116 = vector.broadcast %mul3A_115 : i32 to vector<16xi32>
      %mul3A_117 = arith.muli %iota3A, %mul3A_116 : vector<16xi32>
      %add3A_118 = vector.broadcast %scan3A_114 : i32 to vector<16xi32>
      %add3A_119 = arith.addi %mul3A_117, %add3A_118 : vector<16xi32>
      %gather3A_120 = tpu.vector_load_idx %arg7[%add3A_119] masked %lt3A_2 : memref<2048xi32, #tpu.memory_space<vmem>>[vector<16xi32>], vector<16xi32>, vector<16xi1>
      %jit3A_121 = arith.constant 0 : i32
      %broadcast_in_dim3A_122 = vector.broadcast %jit3A_121 : i32 to vector<16xi32>
      %select_n3A_123 = arith.select %lt3A_2, %gather3A_120, %broadcast_in_dim3A_122 : vector<16xi1>, vector<16xi32>
      %gather3A_124 = tpu.vector_load_idx %arg8[%add3A_119] masked %lt3A_2 : memref<2048xf32, #tpu.memory_space<vmem>>[vector<16xi32>], vector<16xf32>, vector<16xi1>
      %gather3A_125 = tpu.vector_load_idx %arg9[%select_n3A_123] masked %lt3A_2 : memref<8192xf32, #tpu.memory_space<vmem>>[vector<16xi32>], vector<16xf32>, vector<16xi1>
      %mul3A_126 = arith.mulf %gather3A_124, %gather3A_125 : vector<16xf32>
      %mul3A_127 = arith.constant 8192 : i32
      %mul3A_128 = vector.broadcast %mul3A_127 : i32 to vector<16xi32>
      %mul3A_129 = arith.muli %iota3A, %mul3A_128 : vector<16xi32>
      %add3A_130 = arith.addi %mul3A_129, %select_n3A_123 : vector<16xi32>
      tpu.vector_store_idx %arg10[%add3A_130], %mul3A_126 masked %lt3A_2 {add = true} : memref<65536xf32, #tpu.memory_space<vmem>>[vector<16xi32>], vector<16xf32>, vector<16xi1>
      %jit3A_131 = arith.constant 0.000000e+00 : f32
      %broadcast_in_dim3A_132 = vector.broadcast %jit3A_131 : f32 to vector<16xf32>
      %select_n3A_133 = arith.select %lt3A_2, %gather3A_125, %broadcast_in_dim3A_132 : vector<16xi1>, vector<16xf32>
      %add3A_134 = arith.addf %add3A_112, %select_n3A_133 : vector<16xf32>
      scf.yield %add3A_134 : vector<16xf32>
    }
    %scan3A_45 = arith.constant 256 : i32
    %swap3A_46 = arith.constant 0 : index
    %swap3A_47 = tpu.vector_load %arg11[%swap3A_46] {strides = array<i32>} : memref<16xf32, #tpu.memory_space<vmem>>, vector<16xf32>,
    tpu.vector_store %arg11[%swap3A_46], %scan3A_44 {strides = array<i32>} : memref<16xf32, #tpu.memory_space<vmem>>, vector<16xf32>,
    %mul3A_48 = arith.constant 8192 : i32
    %mul3A_49 = arith.muli %mul3A_35, %mul3A_48 : i32
    "tpu.region"() ({
      %run_scoped3A = tpu.sem_alloc : memref<!tpu.dma_semaphore, #tpu.memory_space<semaphore_mem>>
      %dma_start3A = tpu.memref_slice %arg5[%mul3A_49] : memref<4194304xf32, #tpu.memory_space<hbm>> -> memref<65536xf32, #tpu.memory_space<hbm>>
      %dma_start3A_50 = tpu.memref_slice %arg5[%mul3A_49] : memref<4194304xf32, #tpu.memory_space<hbm>> -> memref<65536xf32, #tpu.memory_space<hbm>>
      tpu.enqueue_dma source(%arg10 : memref<65536xf32, #tpu.memory_space<vmem>>) target(%dma_start3A_50 : memref<65536xf32, #tpu.memory_space<hbm>>) target_semaphore(%run_scoped3A : memref<!tpu.dma_semaphore, #tpu.memory_space<semaphore_mem>>)
      %dma_wait3A = tpu.memref_slice %arg5[%mul3A_49] : memref<4194304xf32, #tpu.memory_space<hbm>> -> memref<65536xf32, #tpu.memory_space<hbm>>
      %dma_wait3A_51 = tpu.memref_slice %arg5[%mul3A_49] : memref<4194304xf32, #tpu.memory_space<hbm>> -> memref<65536xf32, #tpu.memory_space<hbm>>
      tpu.wait_dma2 semaphore(%run_scoped3A : memref<!tpu.dma_semaphore, #tpu.memory_space<semaphore_mem>>) src(%arg10 : memref<65536xf32, #tpu.memory_space<vmem>>) dst(%dma_wait3A_51 : memref<65536xf32, #tpu.memory_space<hbm>>)
      tpu.yield
    }) : () -> ()
    "tpu.region"() ({
      %run_scoped3A = tpu.sem_alloc : memref<!tpu.dma_semaphore, #tpu.memory_space<semaphore_mem>>
      %dma_start3A = arith.constant 0 : i32
      %dma_start3A_50 = tpu.memref_slice %arg11[%dma_start3A] : memref<16xf32, #tpu.memory_space<vmem>> -> memref<8xf32, #tpu.memory_space<vmem>>
      %dma_start3A_51 = tpu.memref_slice %arg6[%mul3A_35] : memref<512xf32, #tpu.memory_space<hbm>> -> memref<8xf32, #tpu.memory_space<hbm>>
      %dma_start3A_52 = tpu.memref_slice %arg6[%mul3A_35] : memref<512xf32, #tpu.memory_space<hbm>> -> memref<8xf32, #tpu.memory_space<hbm>>
      %dma_start3A_53 = arith.constant 0 : i32
      %dma_start3A_54 = tpu.memref_slice %arg11[%dma_start3A_53] : memref<16xf32, #tpu.memory_space<vmem>> -> memref<8xf32, #tpu.memory_space<vmem>>
      tpu.enqueue_dma source(%dma_start3A_54 : memref<8xf32, #tpu.memory_space<vmem>>) target(%dma_start3A_52 : memref<8xf32, #tpu.memory_space<hbm>>) target_semaphore(%run_scoped3A : memref<!tpu.dma_semaphore, #tpu.memory_space<semaphore_mem>>)
      %dma_wait3A = arith.constant 0 : i32
      %dma_wait3A_55 = tpu.memref_slice %arg11[%dma_wait3A] : memref<16xf32, #tpu.memory_space<vmem>> -> memref<8xf32, #tpu.memory_space<vmem>>
      %dma_wait3A_56 = tpu.memref_slice %arg6[%mul3A_35] : memref<512xf32, #tpu.memory_space<hbm>> -> memref<8xf32, #tpu.memory_space<hbm>>
      %dma_wait3A_57 = tpu.memref_slice %arg6[%mul3A_35] : memref<512xf32, #tpu.memory_space<hbm>> -> memref<8xf32, #tpu.memory_space<hbm>>
      %dma_wait3A_58 = arith.constant 0 : i32
      %dma_wait3A_59 = tpu.memref_slice %arg11[%dma_wait3A_58] : memref<16xf32, #tpu.memory_space<vmem>> -> memref<8xf32, #tpu.memory_space<vmem>>
      tpu.wait_dma2 semaphore(%run_scoped3A : memref<!tpu.dma_semaphore, #tpu.memory_space<semaphore_mem>>) src(%dma_wait3A_59 : memref<8xf32, #tpu.memory_space<vmem>>) dst(%dma_wait3A_57 : memref<8xf32, #tpu.memory_space<hbm>>)
      tpu.yield
    }) : () -> ()
    return
  }
}

module attributes {stable_mosaic.version = 14 : i64} {
  func.func @_tcq_body(%arg0: i32, %arg1: memref<1024x768xf32, #tpu.memory_space<vmem>>, %arg2: memref<768x768xf32, #tpu.memory_space<vmem>>, %arg3: memref<3x768xf32, #tpu.memory_space<vmem>>, %arg4: memref<1024x768xbf16, #tpu.memory_space<vmem>>) attributes {dimension_semantics = [#tpu.dimension_semantics<arbitrary>], iteration_bounds = array<i64: 8>, scalar_prefetch = 0 : i64, scratch_operands = 0 : i64, tpu.core_type = #tpu.core_type<tc>, window_params = [{transform_indices = @transform_0, window_bounds = array<i64: 1024, 768>}, {transform_indices = @transform_1, window_bounds = array<i64: 768, 768>}, {pipeline_mode = #tpu.pipeline_mode<synchronous>, transform_indices = @transform_2, window_bounds = array<i64: 3, 768>}, {transform_indices = @transform_3, window_bounds = array<i64: 1024, 768>}]} {
    %get3A = arith.constant 0 : index
    %get3A_0 = arith.constant 0 : index
    %get3A_1 = vector.load %arg1[%get3A, %get3A_0] : memref<1024x768xf32, #tpu.memory_space<vmem>>, vector<1024x768xf32>
    %get3A_2 = arith.constant 0 : index
    %get3A_3 = arith.constant 0 : index
    %get3A_4 = vector.load %arg2[%get3A_2, %get3A_3] : memref<768x768xf32, #tpu.memory_space<vmem>>, vector<768x768xf32>
    %dot_general3A = arith.constant dense<0.000000e+00> : vector<1024x768xf32>
    %dot_general3A_5 = tpu.matmul %get3A_1, %get3A_4, %dot_general3A {dimension_numbers = #tpu.dot_dimension_numbers<[1], [0], [0], [1], [0, 0, 1, 1], [], []>, transpose_lhs_hint = false} : vector<1024x768xf32>, vector<768x768xf32>, vector<1024x768xf32> -> vector<1024x768xf32>
    %get3A_6 = arith.constant 0 : index
    %get3A_7 = arith.constant 0 : index
    %get3A_8 = vector.load %arg3[%get3A_6, %get3A_7] : memref<3x768xf32, #tpu.memory_space<vmem>>, vector<1x768xf32>
    %add3A = vector.broadcast %get3A_8 : vector<1x768xf32> to vector<1024x768xf32>
    %add3A_9 = arith.addf %dot_general3A_5, %add3A : vector<1024x768xf32>
    %mul3A = arith.constant 1.250000e-01 : f32
    %mul3A_10 = vector.broadcast %mul3A : f32 to vector<1024x768xf32>
    %mul3A_11 = arith.mulf %add3A_9, %mul3A_10 : vector<1024x768xf32>
    %convert_element_type3A = arith.truncf %mul3A_11 : vector<1024x768xf32> to vector<1024x768xbf16>
    %swap3A = arith.constant 0 : index
    %swap3A_12 = arith.constant 0 : index
    %swap3A_13 = vector.load %arg4[%swap3A, %swap3A_12] : memref<1024x768xbf16, #tpu.memory_space<vmem>>, vector<1024x768xbf16>
    tpu.vector_store %arg4[%swap3A, %swap3A_12], %convert_element_type3A {strides = array<i32>} : memref<1024x768xbf16, #tpu.memory_space<vmem>>, vector<1024x768xbf16>,
    return
  }
  func.func @transform_0(%arg0: i32) -> (i32, i32) {
    %c0_i32 = arith.constant 0 : i32
    %c0_i32_0 = arith.constant 0 : i32
    return %arg0, %c0_i32 : i32, i32
  }
  func.func @transform_1(%arg0: i32) -> (i32, i32) {
    %c0_i32 = arith.constant 0 : i32
    %c0_i32_0 = arith.constant 0 : i32
    %c0_i32_1 = arith.constant 0 : i32
    return %c0_i32, %c0_i32_0 : i32, i32
  }
  func.func @transform_2(%arg0: i32) -> (i32, i32) {
    %c0_i32 = arith.constant 0 : i32
    %c0_i32_0 = arith.constant 0 : i32
    %c0_i32_1 = arith.constant 0 : i32
    return %c0_i32, %c0_i32_0 : i32, i32
  }
  func.func @transform_3(%arg0: i32) -> (i32, i32) {
    %c0_i32 = arith.constant 0 : i32
    %c0_i32_0 = arith.constant 0 : i32
    return %arg0, %c0_i32 : i32, i32
  }
}

module attributes {stable_mosaic.version = 14 : i64} {
  func.func @_tc12_body(%arg0: i32, %arg1: memref<1x1xi32, #tpu.memory_space<smem>>, %arg2: memref<512x1xf32, #tpu.memory_space<vmem>>, %arg3: memref<512x1024xf32, #tpu.memory_space<vmem>>, %arg4: memref<1024x768xf32, #tpu.memory_space<vmem>>, %arg5: memref<1024x768xbf16, #tpu.memory_space<vmem>>, %arg6: memref<1024x2xf32, #tpu.memory_space<vmem>>, %arg7: memref<768x768xf32, #tpu.memory_space<vmem>>, %arg8: memref<768x768xf32, #tpu.memory_space<vmem>>, %arg9: memref<3x768xf32, #tpu.memory_space<vmem>>, %arg10: memref<2x12xf32, #tpu.memory_space<vmem>>, %arg11: memref<768x768xf32, #tpu.memory_space<vmem>>, %arg12: memref<1x768xf32, #tpu.memory_space<vmem>>, %arg13: memref<1024x768xf32, #tpu.memory_space<vmem>>, %arg14: memref<512x768xf32, #tpu.memory_space<vmem>>, %arg15: memref<512x2xf32, #tpu.memory_space<vmem>>, %arg16: memref<512x1xf32, #tpu.memory_space<vmem>>, %arg17: memref<1x2xf32, #tpu.memory_space<vmem>>, %arg18: memref<512x768xbf16, #tpu.memory_space<vmem>>, %arg19: memref<512x768xbf16, #tpu.memory_space<vmem>>, %arg20: memref<12x512xf32, #tpu.memory_space<vmem>>, %arg21: memref<1024x768xbf16, #tpu.memory_space<vmem>>, %arg22: memref<768x768xbf16, #tpu.memory_space<vmem>>) attributes {dimension_semantics = [#tpu.dimension_semantics<arbitrary>], iteration_bounds = array<i64: 16>, scalar_prefetch = 0 : i64, scratch_operands = 9 : i64, tpu.core_type = #tpu.core_type<tc>, window_params = [{transform_indices = @transform_0, window_bounds = array<i64: 1, 1>}, {pipeline_mode = #tpu.pipeline_mode<synchronous>, transform_indices = @transform_1, window_bounds = array<i64: 512, 1>}, {transform_indices = @transform_2, window_bounds = array<i64: 512, 1024>}, {transform_indices = @transform_3, window_bounds = array<i64: 1024, 768>}, {transform_indices = @transform_4, window_bounds = array<i64: 1024, 768>}, {transform_indices = @transform_5, window_bounds = array<i64: 1024, 2>}, {transform_indices = @transform_6, window_bounds = array<i64: 768, 768>}, {transform_indices = @transform_7, window_bounds = array<i64: 768, 768>}, {pipeline_mode = #tpu.pipeline_mode<synchronous>, transform_indices = @transform_8, window_bounds = array<i64: 3, 768>}, {pipeline_mode = #tpu.pipeline_mode<synchronous>, transform_indices = @transform_9, window_bounds = array<i64: 2, 12>}, {pipeline_mode = #tpu.pipeline_mode<synchronous>, transform_indices = @transform_10, window_bounds = array<i64: 768, 768>}, {pipeline_mode = #tpu.pipeline_mode<synchronous>, transform_indices = @transform_11, window_bounds = array<i64: 1, 768>}, {transform_indices = @transform_12, window_bounds = array<i64: 1024, 768>}]} {
    %eq3A = arith.constant 0 : i32
    %eq3A_0 = arith.cmpi eq, %arg0, %eq3A : i32
    %convert_element_type3A = arith.extui %eq3A_0 : i1 to i32
    %cond3A = arith.constant 0 : i32
    %cond3A_1 = arith.cmpi ne, %convert_element_type3A, %cond3A : i32
    scf.if %cond3A_1 {
      %broadcast_in_dim3A = arith.constant 0.000000e+00 : f32
      %broadcast_in_dim3A_15 = vector.broadcast %broadcast_in_dim3A : f32 to vector<512x768xf32>
      %swap3A = arith.constant 0 : index
      %swap3A_16 = arith.constant 0 : index
      %swap3A_17 = vector.load %arg14[%swap3A, %swap3A_16] : memref<512x768xf32, #tpu.memory_space<vmem>>, vector<512x768xf32>
      tpu.vector_store %arg14[%swap3A, %swap3A_16], %broadcast_in_dim3A_15 {strides = array<i32>} : memref<512x768xf32, #tpu.memory_space<vmem>>, vector<512x768xf32>,
      %broadcast_in_dim3A_18 = arith.constant 0.000000e+00 : f32
      %broadcast_in_dim3A_19 = vector.broadcast %broadcast_in_dim3A_18 : f32 to vector<512x2xf32>
      %swap3A_20 = arith.constant 0 : index
      %swap3A_21 = arith.constant 0 : index
      %swap3A_22 = vector.load %arg15[%swap3A_20, %swap3A_21] : memref<512x2xf32, #tpu.memory_space<vmem>>, vector<512x2xf32>
      tpu.vector_store %arg15[%swap3A_20, %swap3A_21], %broadcast_in_dim3A_19 {strides = array<i32>} : memref<512x2xf32, #tpu.memory_space<vmem>>, vector<512x2xf32>,
      %broadcast_in_dim3A_23 = arith.constant 0.000000e+00 : f32
      %broadcast_in_dim3A_24 = vector.broadcast %broadcast_in_dim3A_23 : f32 to vector<512x1xf32>
      %swap3A_25 = arith.constant 0 : index
      %swap3A_26 = arith.constant 0 : index
      %swap3A_27 = vector.load %arg16[%swap3A_25, %swap3A_26] : memref<512x1xf32, #tpu.memory_space<vmem>>, vector<512x1xf32>
      tpu.vector_store %arg16[%swap3A_25, %swap3A_26], %broadcast_in_dim3A_24 {strides = array<i32>} : memref<512x1xf32, #tpu.memory_space<vmem>>, vector<512x1xf32>,
      %broadcast_in_dim3A_28 = arith.constant 0xFF800000 : f32
      %broadcast_in_dim3A_29 = vector.broadcast %broadcast_in_dim3A_28 : f32 to vector<1x2xf32>
      %swap3A_30 = arith.constant 0 : index
      %swap3A_31 = arith.constant 0 : index
      %swap3A_32 = vector.load %arg17[%swap3A_30, %swap3A_31] : memref<1x2xf32, #tpu.memory_space<vmem>>, vector<1x2xf32>
      tpu.vector_store %arg17[%swap3A_30, %swap3A_31], %broadcast_in_dim3A_29 {strides = array<i32>} : memref<1x2xf32, #tpu.memory_space<vmem>>, vector<1x2xf32>,
      %get3A = arith.constant 0 : index
      %get3A_33 = arith.constant 0 : index
      %get3A_34 = vector.load %arg11[%get3A, %get3A_33] : memref<768x768xf32, #tpu.memory_space<vmem>>, vector<768x768xf32>
      %convert_element_type3A_35 = arith.truncf %get3A_34 : vector<768x768xf32> to vector<768x768xbf16>
      %swap3A_36 = arith.constant 0 : index
      %swap3A_37 = arith.constant 0 : index
      %swap3A_38 = vector.load %arg22[%swap3A_36, %swap3A_37] : memref<768x768xbf16, #tpu.memory_space<vmem>>, vector<768x768xbf16>
      tpu.vector_store %arg22[%swap3A_36, %swap3A_37], %convert_element_type3A_35 {strides = array<i32>} : memref<768x768xbf16, #tpu.memory_space<vmem>>, vector<768x768xbf16>,
    } else {
    }
    %lt3A = arith.constant 8 : i32
    %lt3A_2 = arith.cmpi slt, %arg0, %lt3A : i32
    %convert_element_type3A_3 = arith.extui %lt3A_2 : i1 to i32
    %cond3A_4 = arith.constant 0 : i32
    %cond3A_5 = arith.cmpi ne, %convert_element_type3A_3, %cond3A_4 : i32
    scf.if %cond3A_5 {
      %get3A = arith.constant 0 : index
      %get3A_15 = arith.constant 0 : index
      %get3A_16 = vector.load %arg3[%get3A, %get3A_15] : memref<512x1024xf32, #tpu.memory_space<vmem>>, vector<512x1024xf32>
      %get3A_17 = arith.constant 0 : index
      %get3A_18 = arith.constant 0 : index
      %get3A_19 = vector.load %arg6[%get3A_17, %get3A_18] : memref<1024x2xf32, #tpu.memory_space<vmem>>, vector<1024x2xf32>
      %get3A_20 = arith.constant 0 : index
      %get3A_21 = arith.constant 0 : index
      %get3A_22 = vector.load %arg14[%get3A_20, %get3A_21] : memref<512x768xf32, #tpu.memory_space<vmem>>, vector<512x768xf32>
      %convert_element_type3A_23 = arith.truncf %get3A_16 : vector<512x1024xf32> to vector<512x1024xbf16>
      %get3A_24 = arith.constant 0 : index
      %get3A_25 = arith.constant 0 : index
      %get3A_26 = vector.load %arg4[%get3A_24, %get3A_25] : memref<1024x768xf32, #tpu.memory_space<vmem>>, vector<1024x768xf32>
      %convert_element_type3A_27 = arith.truncf %get3A_26 : vector<1024x768xf32> to vector<1024x768xbf16>
      %dot_general3A = arith.constant dense<0.000000e+00> : vector<512x768xf32>
      %dot_general3A_28 = tpu.matmul %convert_element_type3A_23, %convert_element_type3A_27, %dot_general3A {dimension_numbers = #tpu.dot_dimension_numbers<[1], [0], [0], [1], [0, 0, 1, 1], [], []>, transpose_lhs_hint = false} : vector<512x1024xbf16>, vector<1024x768xbf16>, vector<512x768xf32> -> vector<512x768xf32>
      %add3A = arith.addf %get3A_22, %dot_general3A_28 : vector<512x768xf32>
      %swap3A = arith.constant 0 : index
      %swap3A_29 = arith.constant 0 : index
      %swap3A_30 = vector.load %arg14[%swap3A, %swap3A_29] : memref<512x768xf32, #tpu.memory_space<vmem>>, vector<512x768xf32>
      tpu.vector_store %arg14[%swap3A, %swap3A_29], %add3A {strides = array<i32>} : memref<512x768xf32, #tpu.memory_space<vmem>>, vector<512x768xf32>,
      %get3A_31 = arith.constant 0 : index
      %get3A_32 = arith.constant 0 : index
      %get3A_33 = vector.load %arg15[%get3A_31, %get3A_32] : memref<512x2xf32, #tpu.memory_space<vmem>>, vector<512x2xf32>
      %dot_general3A_34 = arith.constant dense<0.000000e+00> : vector<512x2xf32>
      %dot_general3A_35 = tpu.matmul %get3A_16, %get3A_19, %dot_general3A_34 {dimension_numbers = #tpu.dot_dimension_numbers<[1], [0], [0], [1], [0, 0, 1, 1], [], []>, transpose_lhs_hint = false} : vector<512x1024xf32>, vector<1024x2xf32>, vector<512x2xf32> -> vector<512x2xf32>
      %add3A_36 = arith.addf %get3A_33, %dot_general3A_35 : vector<512x2xf32>
      %swap3A_37 = arith.constant 0 : index
      %swap3A_38 = arith.constant 0 : index
      %swap3A_39 = vector.load %arg15[%swap3A_37, %swap3A_38] : memref<512x2xf32, #tpu.memory_space<vmem>>, vector<512x2xf32>
      tpu.vector_store %arg15[%swap3A_37, %swap3A_38], %add3A_36 {strides = array<i32>} : memref<512x2xf32, #tpu.memory_space<vmem>>, vector<512x2xf32>,
      %get3A_40 = arith.constant 0 : index
      %get3A_41 = arith.constant 0 : index
      %get3A_42 = vector.load %arg16[%get3A_40, %get3A_41] : memref<512x1xf32, #tpu.memory_space<vmem>>, vector<512x1xf32>
      %reduce_sum3A = arith.constant dense<0.000000e+00> : vector<512xf32>
      %reduce_sum3A_43 = vector.multi_reduction <add>, %get3A_16, %reduce_sum3A [1] : vector<512x1024xf32> to vector<512xf32>
      %broadcast_in_dim3A = vector.shape_cast %reduce_sum3A_43 : vector<512xf32> to vector<512x1xf32>
      %add3A_44 = arith.addf %get3A_42, %broadcast_in_dim3A : vector<512x1xf32>
      %swap3A_45 = arith.constant 0 : index
      %swap3A_46 = arith.constant 0 : index
      %swap3A_47 = vector.load %arg16[%swap3A_45, %swap3A_46] : memref<512x1xf32, #tpu.memory_space<vmem>>, vector<512x1xf32>
      tpu.vector_store %arg16[%swap3A_45, %swap3A_46], %add3A_44 {strides = array<i32>} : memref<512x1xf32, #tpu.memory_space<vmem>>, vector<512x1xf32>,
      %get3A_48 = arith.constant 0 : index
      %get3A_49 = arith.constant 0 : index
      %get3A_50 = vector.load %arg17[%get3A_48, %get3A_49] : memref<1x2xf32, #tpu.memory_space<vmem>>, vector<1x2xf32>
      %reduce_max3A = arith.constant dense<0xFF800000> : vector<2xf32>
      %reduce_max3A_51 = vector.multi_reduction <maximumf>, %get3A_19, %reduce_max3A [0] : vector<1024x2xf32> to vector<2xf32>
      %broadcast_in_dim3A_52 = vector.shape_cast %reduce_max3A_51 : vector<2xf32> to vector<1x2xf32>
      %max3A = arith.maximumf %get3A_50, %broadcast_in_dim3A_52 : vector<1x2xf32>
      %swap3A_53 = arith.constant 0 : index
      %swap3A_54 = arith.constant 0 : index
      %swap3A_55 = vector.load %arg17[%swap3A_53, %swap3A_54] : memref<1x2xf32, #tpu.memory_space<vmem>>, vector<1x2xf32>
      tpu.vector_store %arg17[%swap3A_53, %swap3A_54], %max3A {strides = array<i32>} : memref<1x2xf32, #tpu.memory_space<vmem>>, vector<1x2xf32>,
    } else {
    }
    %eq3A_6 = arith.constant 7 : i32
    %eq3A_7 = arith.cmpi eq, %arg0, %eq3A_6 : i32
    %convert_element_type3A_8 = arith.extui %eq3A_7 : i1 to i32
    %cond3A_9 = arith.constant 0 : i32
    %cond3A_10 = arith.cmpi ne, %convert_element_type3A_8, %cond3A_9 : i32
    scf.if %cond3A_10 {
      %get3A = arith.constant 0 : index
      %get3A_15 = arith.constant 0 : index
      %get3A_16 = vector.load %arg14[%get3A, %get3A_15] : memref<512x768xf32, #tpu.memory_space<vmem>>, vector<512x768xf32>
      %get3A_17 = arith.constant 0 : index
      %get3A_18 = arith.constant 0 : index
      %get3A_19 = vector.load %arg16[%get3A_17, %get3A_18] : memref<512x1xf32, #tpu.memory_space<vmem>>, vector<512x1xf32>
      %get3A_20 = arith.constant 0 : index
      %get3A_21 = arith.constant 0 : index
      %get3A_22 = vector.load %arg7[%get3A_20, %get3A_21] : memref<768x768xf32, #tpu.memory_space<vmem>>, vector<768x768xf32>
      %dot_general3A = arith.constant dense<0.000000e+00> : vector<512x768xf32>
      %dot_general3A_23 = tpu.matmul %get3A_16, %get3A_22, %dot_general3A {dimension_numbers = #tpu.dot_dimension_numbers<[1], [0], [0], [1], [0, 0, 1, 1], [], []>, transpose_lhs_hint = false} : vector<512x768xf32>, vector<768x768xf32>, vector<512x768xf32> -> vector<512x768xf32>
      %get3A_24 = arith.constant 1 : index
      %get3A_25 = arith.constant 0 : index
      %get3A_26 = vector.load %arg9[%get3A_24, %get3A_25] : memref<3x768xf32, #tpu.memory_space<vmem>>, vector<1x768xf32>
      %mul3A = vector.broadcast %get3A_19 : vector<512x1xf32> to vector<512x768xf32>
      %mul3A_27 = vector.broadcast %get3A_26 : vector<1x768xf32> to vector<512x768xf32>
      %mul3A_28 = arith.mulf %mul3A, %mul3A_27 : vector<512x768xf32>
      %add3A = arith.addf %dot_general3A_23, %mul3A_28 : vector<512x768xf32>
      %convert_element_type3A_29 = arith.truncf %add3A : vector<512x768xf32> to vector<512x768xbf16>
      %swap3A = arith.constant 0 : index
      %swap3A_30 = arith.constant 0 : index
      %swap3A_31 = vector.load %arg18[%swap3A, %swap3A_30] : memref<512x768xbf16, #tpu.memory_space<vmem>>, vector<512x768xbf16>
      tpu.vector_store %arg18[%swap3A, %swap3A_30], %convert_element_type3A_29 {strides = array<i32>} : memref<512x768xbf16, #tpu.memory_space<vmem>>, vector<512x768xbf16>,
      %get3A_32 = arith.constant 0 : index
      %get3A_33 = arith.constant 0 : index
      %get3A_34 = vector.load %arg8[%get3A_32, %get3A_33] : memref<768x768xf32, #tpu.memory_space<vmem>>, vector<768x768xf32>
      %dot_general3A_35 = arith.constant dense<0.000000e+00> : vector<512x768xf32>
      %dot_general3A_36 = tpu.matmul %get3A_16, %get3A_34, %dot_general3A_35 {dimension_numbers = #tpu.dot_dimension_numbers<[1], [0], [0], [1], [0, 0, 1, 1], [], []>, transpose_lhs_hint = false} : vector<512x768xf32>, vector<768x768xf32>, vector<512x768xf32> -> vector<512x768xf32>
      %get3A_37 = arith.constant 2 : index
      %get3A_38 = arith.constant 0 : index
      %get3A_39 = vector.load %arg9[%get3A_37, %get3A_38] : memref<3x768xf32, #tpu.memory_space<vmem>>, vector<1x768xf32>
      %mul3A_40 = vector.broadcast %get3A_19 : vector<512x1xf32> to vector<512x768xf32>
      %mul3A_41 = vector.broadcast %get3A_39 : vector<1x768xf32> to vector<512x768xf32>
      %mul3A_42 = arith.mulf %mul3A_40, %mul3A_41 : vector<512x768xf32>
      %add3A_43 = arith.addf %dot_general3A_36, %mul3A_42 : vector<512x768xf32>
      %convert_element_type3A_44 = arith.truncf %add3A_43 : vector<512x768xf32> to vector<512x768xbf16>
      %swap3A_45 = arith.constant 0 : index
      %swap3A_46 = arith.constant 0 : index
      %swap3A_47 = vector.load %arg19[%swap3A_45, %swap3A_46] : memref<512x768xbf16, #tpu.memory_space<vmem>>, vector<512x768xbf16>
      tpu.vector_store %arg19[%swap3A_45, %swap3A_46], %convert_element_type3A_44 {strides = array<i32>} : memref<512x768xbf16, #tpu.memory_space<vmem>>, vector<512x768xbf16>,
      %get3A_48 = arith.constant 0 : index
      %get3A_49 = arith.constant 0 : index
      %get3A_50 = vector.load %arg15[%get3A_48, %get3A_49] : memref<512x2xf32, #tpu.memory_space<vmem>>, vector<512x2xf32>
      %get3A_51 = arith.constant 0 : index
      %get3A_52 = arith.constant 0 : index
      %get3A_53 = vector.load %arg17[%get3A_51, %get3A_52] : memref<1x2xf32, #tpu.memory_space<vmem>>, vector<1x2xf32>
      %div3A = vector.broadcast %get3A_53 : vector<1x2xf32> to vector<512x2xf32>
      %div3A_54 = arith.divf %get3A_50, %div3A : vector<512x2xf32>
      %get3A_55 = arith.constant 0 : index
      %get3A_56 = arith.constant 0 : index
      %get3A_57 = vector.load %arg10[%get3A_55, %get3A_56] : memref<2x12xf32, #tpu.memory_space<vmem>>, vector<2x12xf32>
      %dot_general3A_58 = arith.constant dense<0.000000e+00> : vector<512x12xf32>
      %dot_general3A_59 = tpu.matmul %div3A_54, %get3A_57, %dot_general3A_58 {dimension_numbers = #tpu.dot_dimension_numbers<[1], [0], [0], [1], [0, 0, 1, 1], [], []>, transpose_lhs_hint = false} : vector<512x2xf32>, vector<2x12xf32>, vector<512x12xf32> -> vector<512x12xf32>
      %iota3A = tpu.iota {dimensions = array<i32: 0>} : vector<512x1xi32>
      %get3A_60 = arith.constant 0 : index
      %get3A_61 = arith.constant 0 : index
      %get3A_62 = vector.load %arg2[%get3A_60, %get3A_61] : memref<512x1xf32, #tpu.memory_space<vmem>>, vector<512x1xf32>
      %gt3A = arith.constant 0.000000e+00 : f32
      %gt3A_63 = vector.broadcast %gt3A : f32 to vector<512x1xf32>
      %gt3A_64 = arith.cmpf ogt, %get3A_62, %gt3A_63 : vector<512x1xf32>
      %get3A_65 = arith.constant 0 : index
      %get3A_66 = arith.constant 0 : index
      %get3A_67 = memref.load %arg1[%get3A_65, %get3A_66] : memref<1x1xi32, #tpu.memory_space<smem>>
      %lt3A_68 = vector.broadcast %get3A_67 : i32 to vector<512x1xi32>
      %lt3A_69 = arith.cmpi slt, %iota3A, %lt3A_68 : vector<512x1xi32>
      %and3A = arith.andi %gt3A_64, %lt3A_69 : vector<512x1xi1>
      %jit3A = arith.constant 0.000000e+00 : f32
      %jit3A_70 = arith.constant -1.000000e+02 : f32
      %broadcast_in_dim3A = vector.broadcast %jit3A : f32 to vector<512x1xf32>
      %broadcast_in_dim3A_71 = vector.broadcast %jit3A_70 : f32 to vector<512x1xf32>
      %select_n3A = arith.select %and3A, %broadcast_in_dim3A, %broadcast_in_dim3A_71 : vector<512x1xi1>, vector<512x1xf32>
      %add3A_72 = vector.broadcast %select_n3A : vector<512x1xf32> to vector<512x12xf32>
      %add3A_73 = arith.addf %dot_general3A_59, %add3A_72 : vector<512x12xf32>
      %transpose3A = tpu.transpose %add3A_73, [1, 0] : vector<512x12xf32> -> vector<12x512xf32>
      %swap3A_74 = arith.constant 0 : index
      %swap3A_75 = arith.constant 0 : index
      %swap3A_76 = vector.load %arg20[%swap3A_74, %swap3A_75] : memref<12x512xf32, #tpu.memory_space<vmem>>, vector<12x512xf32>
      tpu.vector_store %arg20[%swap3A_74, %swap3A_75], %transpose3A {strides = array<i32>} : memref<12x512xf32, #tpu.memory_space<vmem>>, vector<12x512xf32>,
    } else {
    }
    %ge3A = arith.constant 8 : i32
    %ge3A_11 = arith.cmpi sge, %arg0, %ge3A : i32
    %convert_element_type3A_12 = arith.extui %ge3A_11 : i1 to i32
    %cond3A_13 = arith.constant 0 : i32
    %cond3A_14 = arith.cmpi ne, %convert_element_type3A_12, %cond3A_13 : i32
    scf.if %cond3A_14 {
      %get3A = arith.constant 0 : index
      %get3A_15 = arith.constant 0 : index
      %get3A_16 = vector.load %arg5[%get3A, %get3A_15] : memref<1024x768xbf16, #tpu.memory_space<vmem>>, vector<1024x64xbf16>
      %get3A_17 = arith.constant 0 : index
      %get3A_18 = arith.constant 0 : index
      %get3A_19 = vector.load %arg18[%get3A_17, %get3A_18] : memref<512x768xbf16, #tpu.memory_space<vmem>>, vector<512x64xbf16>
      %dot_general3A = arith.constant dense<0.000000e+00> : vector<1024x512xf32>
      %dot_general3A_20 = tpu.matmul %get3A_16, %get3A_19, %dot_general3A {dimension_numbers = #tpu.dot_dimension_numbers<[1], [1], [0], [0], [0, 0, 1, 0], [], []>, transpose_lhs_hint = false} : vector<1024x64xbf16>, vector<512x64xbf16>, vector<1024x512xf32> -> vector<1024x512xf32>
      %get3A_21 = arith.constant 0 : index
      %get3A_22 = arith.constant 0 : index
      %get3A_23 = vector.load %arg20[%get3A_21, %get3A_22] : memref<12x512xf32, #tpu.memory_space<vmem>>, vector<1x512xf32>
      %get3A_24 = vector.shape_cast %get3A_23 : vector<1x512xf32> to vector<512xf32>
      %broadcast_in_dim3A = vector.shape_cast %get3A_24 : vector<512xf32> to vector<1x512xf32>
      %add3A = vector.broadcast %broadcast_in_dim3A : vector<1x512xf32> to vector<1024x512xf32>
      %add3A_25 = arith.addf %dot_general3A_20, %add3A : vector<1024x512xf32>
      %reduce_max3A = arith.constant dense<0xFF800000> : vector<1024xf32>
      %reduce_max3A_26 = vector.multi_reduction <maximumf>, %add3A_25, %reduce_max3A [1] : vector<1024x512xf32> to vector<1024xf32>
      %broadcast_in_dim3A_27 = vector.shape_cast %reduce_max3A_26 : vector<1024xf32> to vector<1024x1xf32>
      %sub3A = vector.broadcast %broadcast_in_dim3A_27 : vector<1024x1xf32> to vector<1024x512xf32>
      %sub3A_28 = arith.subf %add3A_25, %sub3A : vector<1024x512xf32>
      %exp3A = math.exp %sub3A_28 : vector<1024x512xf32>
      %reduce_sum3A = arith.constant dense<0.000000e+00> : vector<1024xf32>
      %reduce_sum3A_29 = vector.multi_reduction <add>, %exp3A, %reduce_sum3A [1] : vector<1024x512xf32> to vector<1024xf32>
      %broadcast_in_dim3A_30 = vector.shape_cast %reduce_sum3A_29 : vector<1024xf32> to vector<1024x1xf32>
      %div3A = arith.constant 1.000000e+00 : f32
      %div3A_31 = vector.broadcast %div3A : f32 to vector<1024x1xf32>
      %div3A_32 = arith.divf %div3A_31, %broadcast_in_dim3A_30 : vector<1024x1xf32>
      %convert_element_type3A_33 = arith.truncf %exp3A : vector<1024x512xf32> to vector<1024x512xbf16>
      %get3A_34 = arith.constant 0 : index
      %get3A_35 = arith.constant 0 : index
      %get3A_36 = vector.load %arg19[%get3A_34, %get3A_35] : memref<512x768xbf16, #tpu.memory_space<vmem>>, vector<512x64xbf16>
      %dot_general3A_37 = arith.constant dense<0.000000e+00> : vector<1024x64xf32>
      %dot_general3A_38 = tpu.matmul %convert_element_type3A_33, %get3A_36, %dot_general3A_37 {dimension_numbers = #tpu.dot_dimension_numbers<[1], [0], [0], [1], [0, 0, 1, 1], [], []>, transpose_lhs_hint = false} : vector<1024x512xbf16>, vector<512x64xbf16>, vector<1024x64xf32> -> vector<1024x64xf32>
      %mul3A = vector.broadcast %div3A_32 : vector<1024x1xf32> to vector<1024x64xf32>
      %mul3A_39 = arith.mulf %dot_general3A_38, %mul3A : vector<1024x64xf32>
      %convert_element_type3A_40 = arith.truncf %mul3A_39 : vector<1024x64xf32> to vector<1024x64xbf16>
      %swap3A = arith.constant 0 : index
      %swap3A_41 = arith.constant 0 : index
      %swap3A_42 = vector.load %arg21[%swap3A, %swap3A_41] : memref<1024x768xbf16, #tpu.memory_space<vmem>>, vector<1024x64xbf16>
      tpu.vector_store %arg21[%swap3A, %swap3A_41], %convert_element_type3A_40 {strides = array<i32>} : memref<1024x768xbf16, #tpu.memory_space<vmem>>, vector<1024x64xbf16>,
      %get3A_43 = arith.constant 0 : index
      %get3A_44 = arith.constant 64 : index
      %get3A_45 = vector.load %arg5[%get3A_43, %get3A_44] : memref<1024x768xbf16, #tpu.memory_space<vmem>>, vector<1024x64xbf16>
      %get3A_46 = arith.constant 0 : index
      %get3A_47 = arith.constant 64 : index
      %get3A_48 = vector.load %arg18[%get3A_46, %get3A_47] : memref<512x768xbf16, #tpu.memory_space<vmem>>, vector<512x64xbf16>
      %dot_general3A_49 = arith.constant dense<0.000000e+00> : vector<1024x512xf32>
      %dot_general3A_50 = tpu.matmul %get3A_45, %get3A_48, %dot_general3A_49 {dimension_numbers = #tpu.dot_dimension_numbers<[1], [1], [0], [0], [0, 0, 1, 0], [], []>, transpose_lhs_hint = false} : vector<1024x64xbf16>, vector<512x64xbf16>, vector<1024x512xf32> -> vector<1024x512xf32>
      %get3A_51 = arith.constant 1 : index
      %get3A_52 = arith.constant 0 : index
      %get3A_53 = vector.load %arg20[%get3A_51, %get3A_52] : memref<12x512xf32, #tpu.memory_space<vmem>>, vector<1x512xf32>
      %get3A_54 = vector.shape_cast %get3A_53 : vector<1x512xf32> to vector<512xf32>
      %broadcast_in_dim3A_55 = vector.shape_cast %get3A_54 : vector<512xf32> to vector<1x512xf32>
      %add3A_56 = vector.broadcast %broadcast_in_dim3A_55 : vector<1x512xf32> to vector<1024x512xf32>
      %add3A_57 = arith.addf %dot_general3A_50, %add3A_56 : vector<1024x512xf32>
      %reduce_max3A_58 = arith.constant dense<0xFF800000> : vector<1024xf32>
      %reduce_max3A_59 = vector.multi_reduction <maximumf>, %add3A_57, %reduce_max3A_58 [1] : vector<1024x512xf32> to vector<1024xf32>
      %broadcast_in_dim3A_60 = vector.shape_cast %reduce_max3A_59 : vector<1024xf32> to vector<1024x1xf32>
      %sub3A_61 = vector.broadcast %broadcast_in_dim3A_60 : vector<1024x1xf32> to vector<1024x512xf32>
      %sub3A_62 = arith.subf %add3A_57, %sub3A_61 : vector<1024x512xf32>
      %exp3A_63 = math.exp %sub3A_62 : vector<1024x512xf32>
      %reduce_sum3A_64 = arith.constant dense<0.000000e+00> : vector<1024xf32>
      %reduce_sum3A_65 = vector.multi_reduction <add>, %exp3A_63, %reduce_sum3A_64 [1] : vector<1024x512xf32> to vector<1024xf32>
      %broadcast_in_dim3A_66 = vector.shape_cast %reduce_sum3A_65 : vector<1024xf32> to vector<1024x1xf32>
      %div3A_67 = arith.constant 1.000000e+00 : f32
      %div3A_68 = vector.broadcast %div3A_67 : f32 to vector<1024x1xf32>
      %div3A_69 = arith.divf %div3A_68, %broadcast_in_dim3A_66 : vector<1024x1xf32>
      %convert_element_type3A_70 = arith.truncf %exp3A_63 : vector<1024x512xf32> to vector<1024x512xbf16>
      %get3A_71 = arith.constant 0 : index
      %get3A_72 = arith.constant 64 : index
      %get3A_73 = vector.load %arg19[%get3A_71, %get3A_72] : memref<512x768xbf16, #tpu.memory_space<vmem>>, vector<512x64xbf16>
      %dot_general3A_74 = arith.constant dense<0.000000e+00> : vector<1024x64xf32>
      %dot_general3A_75 = tpu.matmul %convert_element_type3A_70, %get3A_73, %dot_general3A_74 {dimension_numbers = #tpu.dot_dimension_numbers<[1], [0], [0], [1], [0, 0, 1, 1], [], []>, transpose_lhs_hint = false} : vector<1024x512xbf16>, vector<512x64xbf16>, vector<1024x64xf32> -> vector<1024x64xf32>
      %mul3A_76 = vector.broadcast %div3A_69 : vector<1024x1xf32> to vector<1024x64xf32>
      %mul3A_77 = arith.mulf %dot_general3A_75, %mul3A_76 : vector<1024x64xf32>
      %convert_element_type3A_78 = arith.truncf %mul3A_77 : vector<1024x64xf32> to vector<1024x64xbf16>
      %swap3A_79 = arith.constant 0 : index
      %swap3A_80 = arith.constant 64 : index
      %swap3A_81 = vector.load %arg21[%swap3A_79, %swap3A_80] : memref<1024x768xbf16, #tpu.memory_space<vmem>>, vector<1024x64xbf16>
      tpu.vector_store %arg21[%swap3A_79, %swap3A_80], %convert_element_type3A_78 {strides = array<i32>} : memref<1024x768xbf16, #tpu.memory_space<vmem>>, vector<1024x64xbf16>,
      %get3A_82 = arith.constant 0 : index
      %get3A_83 = arith.constant 128 : index
      %get3A_84 = vector.load %arg5[%get3A_82, %get3A_83] : memref<1024x768xbf16, #tpu.memory_space<vmem>>, vector<1024x64xbf16>
      %get3A_85 = arith.constant 0 : index
      %get3A_86 = arith.constant 128 : index
      %get3A_87 = vector.load %arg18[%get3A_85, %get3A_86] : memref<512x768xbf16, #tpu.memory_space<vmem>>, vector<512x64xbf16>
      %dot_general3A_88 = arith.constant dense<0.000000e+00> : vector<1024x512xf32>
      %dot_general3A_89 = tpu.matmul %get3A_84, %get3A_87, %dot_general3A_88 {dimension_numbers = #tpu.dot_dimension_numbers<[1], [1], [0], [0], [0, 0, 1, 0], [], []>, transpose_lhs_hint = false} : vector<1024x64xbf16>, vector<512x64xbf16>, vector<1024x512xf32> -> vector<1024x512xf32>
      %get3A_90 = arith.constant 2 : index
      %get3A_91 = arith.constant 0 : index
      %get3A_92 = vector.load %arg20[%get3A_90, %get3A_91] : memref<12x512xf32, #tpu.memory_space<vmem>>, vector<1x512xf32>
      %get3A_93 = vector.shape_cast %get3A_92 : vector<1x512xf32> to vector<512xf32>
      %broadcast_in_dim3A_94 = vector.shape_cast %get3A_93 : vector<512xf32> to vector<1x512xf32>
      %add3A_95 = vector.broadcast %broadcast_in_dim3A_94 : vector<1x512xf32> to vector<1024x512xf32>
      %add3A_96 = arith.addf %dot_general3A_89, %add3A_95 : vector<1024x512xf32>
      %reduce_max3A_97 = arith.constant dense<0xFF800000> : vector<1024xf32>
      %reduce_max3A_98 = vector.multi_reduction <maximumf>, %add3A_96, %reduce_max3A_97 [1] : vector<1024x512xf32> to vector<1024xf32>
      %broadcast_in_dim3A_99 = vector.shape_cast %reduce_max3A_98 : vector<1024xf32> to vector<1024x1xf32>
      %sub3A_100 = vector.broadcast %broadcast_in_dim3A_99 : vector<1024x1xf32> to vector<1024x512xf32>
      %sub3A_101 = arith.subf %add3A_96, %sub3A_100 : vector<1024x512xf32>
      %exp3A_102 = math.exp %sub3A_101 : vector<1024x512xf32>
      %reduce_sum3A_103 = arith.constant dense<0.000000e+00> : vector<1024xf32>
      %reduce_sum3A_104 = vector.multi_reduction <add>, %exp3A_102, %reduce_sum3A_103 [1] : vector<1024x512xf32> to vector<1024xf32>
      %broadcast_in_dim3A_105 = vector.shape_cast %reduce_sum3A_104 : vector<1024xf32> to vector<1024x1xf32>
      %div3A_106 = arith.constant 1.000000e+00 : f32
      %div3A_107 = vector.broadcast %div3A_106 : f32 to vector<1024x1xf32>
      %div3A_108 = arith.divf %div3A_107, %broadcast_in_dim3A_105 : vector<1024x1xf32>
      %convert_element_type3A_109 = arith.truncf %exp3A_102 : vector<1024x512xf32> to vector<1024x512xbf16>
      %get3A_110 = arith.constant 0 : index
      %get3A_111 = arith.constant 128 : index
      %get3A_112 = vector.load %arg19[%get3A_110, %get3A_111] : memref<512x768xbf16, #tpu.memory_space<vmem>>, vector<512x64xbf16>
      %dot_general3A_113 = arith.constant dense<0.000000e+00> : vector<1024x64xf32>
      %dot_general3A_114 = tpu.matmul %convert_element_type3A_109, %get3A_112, %dot_general3A_113 {dimension_numbers = #tpu.dot_dimension_numbers<[1], [0], [0], [1], [0, 0, 1, 1], [], []>, transpose_lhs_hint = false} : vector<1024x512xbf16>, vector<512x64xbf16>, vector<1024x64xf32> -> vector<1024x64xf32>
      %mul3A_115 = vector.broadcast %div3A_108 : vector<1024x1xf32> to vector<1024x64xf32>
      %mul3A_116 = arith.mulf %dot_general3A_114, %mul3A_115 : vector<1024x64xf32>
      %convert_element_type3A_117 = arith.truncf %mul3A_116 : vector<1024x64xf32> to vector<1024x64xbf16>
      %swap3A_118 = arith.constant 0 : index
      %swap3A_119 = arith.constant 128 : index
      %swap3A_120 = vector.load %arg21[%swap3A_118, %swap3A_119] : memref<1024x768xbf16, #tpu.memory_space<vmem>>, vector<1024x64xbf16>
      tpu.vector_store %arg21[%swap3A_118, %swap3A_119], %convert_element_type3A_117 {strides = array<i32>} : memref<1024x768xbf16, #tpu.memory_space<vmem>>, vector<1024x64xbf16>,
      %get3A_121 = arith.constant 0 : index
      %get3A_122 = arith.constant 192 : index
      %get3A_123 = vector.load %arg5[%get3A_121, %get3A_122] : memref<1024x768xbf16, #tpu.memory_space<vmem>>, vector<1024x64xbf16>
      %get3A_124 = arith.constant 0 : index
      %get3A_125 = arith.constant 192 : index
      %get3A_126 = vector.load %arg18[%get3A_124, %get3A_125] : memref<512x768xbf16, #tpu.memory_space<vmem>>, vector<512x64xbf16>
      %dot_general3A_127 = arith.constant dense<0.000000e+00> : vector<1024x512xf32>
      %dot_general3A_128 = tpu.matmul %get3A_123, %get3A_126, %dot_general3A_127 {dimension_numbers = #tpu.dot_dimension_numbers<[1], [1], [0], [0], [0, 0, 1, 0], [], []>, transpose_lhs_hint = false} : vector<1024x64xbf16>, vector<512x64xbf16>, vector<1024x512xf32> -> vector<1024x512xf32>
      %get3A_129 = arith.constant 3 : index
      %get3A_130 = arith.constant 0 : index
      %get3A_131 = vector.load %arg20[%get3A_129, %get3A_130] : memref<12x512xf32, #tpu.memory_space<vmem>>, vector<1x512xf32>
      %get3A_132 = vector.shape_cast %get3A_131 : vector<1x512xf32> to vector<512xf32>
      %broadcast_in_dim3A_133 = vector.shape_cast %get3A_132 : vector<512xf32> to vector<1x512xf32>
      %add3A_134 = vector.broadcast %broadcast_in_dim3A_133 : vector<1x512xf32> to vector<1024x512xf32>
      %add3A_135 = arith.addf %dot_general3A_128, %add3A_134 : vector<1024x512xf32>
      %reduce_max3A_136 = arith.constant dense<0xFF800000> : vector<1024xf32>
      %reduce_max3A_137 = vector.multi_reduction <maximumf>, %add3A_135, %reduce_max3A_136 [1] : vector<1024x512xf32> to vector<1024xf32>
      %broadcast_in_dim3A_138 = vector.shape_cast %reduce_max3A_137 : vector<1024xf32> to vector<1024x1xf32>
      %sub3A_139 = vector.broadcast %broadcast_in_dim3A_138 : vector<1024x1xf32> to vector<1024x512xf32>
      %sub3A_140 = arith.subf %add3A_135, %sub3A_139 : vector<1024x512xf32>
      %exp3A_141 = math.exp %sub3A_140 : vector<1024x512xf32>
      %reduce_sum3A_142 = arith.constant dense<0.000000e+00> : vector<1024xf32>
      %reduce_sum3A_143 = vector.multi_reduction <add>, %exp3A_141, %reduce_sum3A_142 [1] : vector<1024x512xf32> to vector<1024xf32>
      %broadcast_in_dim3A_144 = vector.shape_cast %reduce_sum3A_143 : vector<1024xf32> to vector<1024x1xf32>
      %div3A_145 = arith.constant 1.000000e+00 : f32
      %div3A_146 = vector.broadcast %div3A_145 : f32 to vector<1024x1xf32>
      %div3A_147 = arith.divf %div3A_146, %broadcast_in_dim3A_144 : vector<1024x1xf32>
      %convert_element_type3A_148 = arith.truncf %exp3A_141 : vector<1024x512xf32> to vector<1024x512xbf16>
      %get3A_149 = arith.constant 0 : index
      %get3A_150 = arith.constant 192 : index
      %get3A_151 = vector.load %arg19[%get3A_149, %get3A_150] : memref<512x768xbf16, #tpu.memory_space<vmem>>, vector<512x64xbf16>
      %dot_general3A_152 = arith.constant dense<0.000000e+00> : vector<1024x64xf32>
      %dot_general3A_153 = tpu.matmul %convert_element_type3A_148, %get3A_151, %dot_general3A_152 {dimension_numbers = #tpu.dot_dimension_numbers<[1], [0], [0], [1], [0, 0, 1, 1], [], []>, transpose_lhs_hint = false} : vector<1024x512xbf16>, vector<512x64xbf16>, vector<1024x64xf32> -> vector<1024x64xf32>
      %mul3A_154 = vector.broadcast %div3A_147 : vector<1024x1xf32> to vector<1024x64xf32>
      %mul3A_155 = arith.mulf %dot_general3A_153, %mul3A_154 : vector<1024x64xf32>
      %convert_element_type3A_156 = arith.truncf %mul3A_155 : vector<1024x64xf32> to vector<1024x64xbf16>
      %swap3A_157 = arith.constant 0 : index
      %swap3A_158 = arith.constant 192 : index
      %swap3A_159 = vector.load %arg21[%swap3A_157, %swap3A_158] : memref<1024x768xbf16, #tpu.memory_space<vmem>>, vector<1024x64xbf16>
      tpu.vector_store %arg21[%swap3A_157, %swap3A_158], %convert_element_type3A_156 {strides = array<i32>} : memref<1024x768xbf16, #tpu.memory_space<vmem>>, vector<1024x64xbf16>,
      %get3A_160 = arith.constant 0 : index
      %get3A_161 = arith.constant 256 : index
      %get3A_162 = vector.load %arg5[%get3A_160, %get3A_161] : memref<1024x768xbf16, #tpu.memory_space<vmem>>, vector<1024x64xbf16>
      %get3A_163 = arith.constant 0 : index
      %get3A_164 = arith.constant 256 : index
      %get3A_165 = vector.load %arg18[%get3A_163, %get3A_164] : memref<512x768xbf16, #tpu.memory_space<vmem>>, vector<512x64xbf16>
      %dot_general3A_166 = arith.constant dense<0.000000e+00> : vector<1024x512xf32>
      %dot_general3A_167 = tpu.matmul %get3A_162, %get3A_165, %dot_general3A_166 {dimension_numbers = #tpu.dot_dimension_numbers<[1], [1], [0], [0], [0, 0, 1, 0], [], []>, transpose_lhs_hint = false} : vector<1024x64xbf16>, vector<512x64xbf16>, vector<1024x512xf32> -> vector<1024x512xf32>
      %get3A_168 = arith.constant 4 : index
      %get3A_169 = arith.constant 0 : index
      %get3A_170 = vector.load %arg20[%get3A_168, %get3A_169] : memref<12x512xf32, #tpu.memory_space<vmem>>, vector<1x512xf32>
      %get3A_171 = vector.shape_cast %get3A_170 : vector<1x512xf32> to vector<512xf32>
      %broadcast_in_dim3A_172 = vector.shape_cast %get3A_171 : vector<512xf32> to vector<1x512xf32>
      %add3A_173 = vector.broadcast %broadcast_in_dim3A_172 : vector<1x512xf32> to vector<1024x512xf32>
      %add3A_174 = arith.addf %dot_general3A_167, %add3A_173 : vector<1024x512xf32>
      %reduce_max3A_175 = arith.constant dense<0xFF800000> : vector<1024xf32>
      %reduce_max3A_176 = vector.multi_reduction <maximumf>, %add3A_174, %reduce_max3A_175 [1] : vector<1024x512xf32> to vector<1024xf32>
      %broadcast_in_dim3A_177 = vector.shape_cast %reduce_max3A_176 : vector<1024xf32> to vector<1024x1xf32>
      %sub3A_178 = vector.broadcast %broadcast_in_dim3A_177 : vector<1024x1xf32> to vector<1024x512xf32>
      %sub3A_179 = arith.subf %add3A_174, %sub3A_178 : vector<1024x512xf32>
      %exp3A_180 = math.exp %sub3A_179 : vector<1024x512xf32>
      %reduce_sum3A_181 = arith.constant dense<0.000000e+00> : vector<1024xf32>
      %reduce_sum3A_182 = vector.multi_reduction <add>, %exp3A_180, %reduce_sum3A_181 [1] : vector<1024x512xf32> to vector<1024xf32>
      %broadcast_in_dim3A_183 = vector.shape_cast %reduce_sum3A_182 : vector<1024xf32> to vector<1024x1xf32>
      %div3A_184 = arith.constant 1.000000e+00 : f32
      %div3A_185 = vector.broadcast %div3A_184 : f32 to vector<1024x1xf32>
      %div3A_186 = arith.divf %div3A_185, %broadcast_in_dim3A_183 : vector<1024x1xf32>
      %convert_element_type3A_187 = arith.truncf %exp3A_180 : vector<1024x512xf32> to vector<1024x512xbf16>
      %get3A_188 = arith.constant 0 : index
      %get3A_189 = arith.constant 256 : index
      %get3A_190 = vector.load %arg19[%get3A_188, %get3A_189] : memref<512x768xbf16, #tpu.memory_space<vmem>>, vector<512x64xbf16>
      %dot_general3A_191 = arith.constant dense<0.000000e+00> : vector<1024x64xf32>
      %dot_general3A_192 = tpu.matmul %convert_element_type3A_187, %get3A_190, %dot_general3A_191 {dimension_numbers = #tpu.dot_dimension_numbers<[1], [0], [0], [1], [0, 0, 1, 1], [], []>, transpose_lhs_hint = false} : vector<1024x512xbf16>, vector<512x64xbf16>, vector<1024x64xf32> -> vector<1024x64xf32>
      %mul3A_193 = vector.broadcast %div3A_186 : vector<1024x1xf32> to vector<1024x64xf32>
      %mul3A_194 = arith.mulf %dot_general3A_192, %mul3A_193 : vector<1024x64xf32>
      %convert_element_type3A_195 = arith.truncf %mul3A_194 : vector<1024x64xf32> to vector<1024x64xbf16>
      %swap3A_196 = arith.constant 0 : index
      %swap3A_197 = arith.constant 256 : index
      %swap3A_198 = vector.load %arg21[%swap3A_196, %swap3A_197] : memref<1024x768xbf16, #tpu.memory_space<vmem>>, vector<1024x64xbf16>
      tpu.vector_store %arg21[%swap3A_196, %swap3A_197], %convert_element_type3A_195 {strides = array<i32>} : memref<1024x768xbf16, #tpu.memory_space<vmem>>, vector<1024x64xbf16>,
      %get3A_199 = arith.constant 0 : index
      %get3A_200 = arith.constant 320 : index
      %get3A_201 = vector.load %arg5[%get3A_199, %get3A_200] : memref<1024x768xbf16, #tpu.memory_space<vmem>>, vector<1024x64xbf16>
      %get3A_202 = arith.constant 0 : index
      %get3A_203 = arith.constant 320 : index
      %get3A_204 = vector.load %arg18[%get3A_202, %get3A_203] : memref<512x768xbf16, #tpu.memory_space<vmem>>, vector<512x64xbf16>
      %dot_general3A_205 = arith.constant dense<0.000000e+00> : vector<1024x512xf32>
      %dot_general3A_206 = tpu.matmul %get3A_201, %get3A_204, %dot_general3A_205 {dimension_numbers = #tpu.dot_dimension_numbers<[1], [1], [0], [0], [0, 0, 1, 0], [], []>, transpose_lhs_hint = false} : vector<1024x64xbf16>, vector<512x64xbf16>, vector<1024x512xf32> -> vector<1024x512xf32>
      %get3A_207 = arith.constant 5 : index
      %get3A_208 = arith.constant 0 : index
      %get3A_209 = vector.load %arg20[%get3A_207, %get3A_208] : memref<12x512xf32, #tpu.memory_space<vmem>>, vector<1x512xf32>
      %get3A_210 = vector.shape_cast %get3A_209 : vector<1x512xf32> to vector<512xf32>
      %broadcast_in_dim3A_211 = vector.shape_cast %get3A_210 : vector<512xf32> to vector<1x512xf32>
      %add3A_212 = vector.broadcast %broadcast_in_dim3A_211 : vector<1x512xf32> to vector<1024x512xf32>
      %add3A_213 = arith.addf %dot_general3A_206, %add3A_212 : vector<1024x512xf32>
      %reduce_max3A_214 = arith.constant dense<0xFF800000> : vector<1024xf32>
      %reduce_max3A_215 = vector.multi_reduction <maximumf>, %add3A_213, %reduce_max3A_214 [1] : vector<1024x512xf32> to vector<1024xf32>
      %broadcast_in_dim3A_216 = vector.shape_cast %reduce_max3A_215 : vector<1024xf32> to vector<1024x1xf32>
      %sub3A_217 = vector.broadcast %broadcast_in_dim3A_216 : vector<1024x1xf32> to vector<1024x512xf32>
      %sub3A_218 = arith.subf %add3A_213, %sub3A_217 : vector<1024x512xf32>
      %exp3A_219 = math.exp %sub3A_218 : vector<1024x512xf32>
      %reduce_sum3A_220 = arith.constant dense<0.000000e+00> : vector<1024xf32>
      %reduce_sum3A_221 = vector.multi_reduction <add>, %exp3A_219, %reduce_sum3A_220 [1] : vector<1024x512xf32> to vector<1024xf32>
      %broadcast_in_dim3A_222 = vector.shape_cast %reduce_sum3A_221 : vector<1024xf32> to vector<1024x1xf32>
      %div3A_223 = arith.constant 1.000000e+00 : f32
      %div3A_224 = vector.broadcast %div3A_223 : f32 to vector<1024x1xf32>
      %div3A_225 = arith.divf %div3A_224, %broadcast_in_dim3A_222 : vector<1024x1xf32>
      %convert_element_type3A_226 = arith.truncf %exp3A_219 : vector<1024x512xf32> to vector<1024x512xbf16>
      %get3A_227 = arith.constant 0 : index
      %get3A_228 = arith.constant 320 : index
      %get3A_229 = vector.load %arg19[%get3A_227, %get3A_228] : memref<512x768xbf16, #tpu.memory_space<vmem>>, vector<512x64xbf16>
      %dot_general3A_230 = arith.constant dense<0.000000e+00> : vector<1024x64xf32>
      %dot_general3A_231 = tpu.matmul %convert_element_type3A_226, %get3A_229, %dot_general3A_230 {dimension_numbers = #tpu.dot_dimension_numbers<[1], [0], [0], [1], [0, 0, 1, 1], [], []>, transpose_lhs_hint = false} : vector<1024x512xbf16>, vector<512x64xbf16>, vector<1024x64xf32> -> vector<1024x64xf32>
      %mul3A_232 = vector.broadcast %div3A_225 : vector<1024x1xf32> to vector<1024x64xf32>
      %mul3A_233 = arith.mulf %dot_general3A_231, %mul3A_232 : vector<1024x64xf32>
      %convert_element_type3A_234 = arith.truncf %mul3A_233 : vector<1024x64xf32> to vector<1024x64xbf16>
      %swap3A_235 = arith.constant 0 : index
      %swap3A_236 = arith.constant 320 : index
      %swap3A_237 = vector.load %arg21[%swap3A_235, %swap3A_236] : memref<1024x768xbf16, #tpu.memory_space<vmem>>, vector<1024x64xbf16>
      tpu.vector_store %arg21[%swap3A_235, %swap3A_236], %convert_element_type3A_234 {strides = array<i32>} : memref<1024x768xbf16, #tpu.memory_space<vmem>>, vector<1024x64xbf16>,
      %get3A_238 = arith.constant 0 : index
      %get3A_239 = arith.constant 384 : index
      %get3A_240 = vector.load %arg5[%get3A_238, %get3A_239] : memref<1024x768xbf16, #tpu.memory_space<vmem>>, vector<1024x64xbf16>
      %get3A_241 = arith.constant 0 : index
      %get3A_242 = arith.constant 384 : index
      %get3A_243 = vector.load %arg18[%get3A_241, %get3A_242] : memref<512x768xbf16, #tpu.memory_space<vmem>>, vector<512x64xbf16>
      %dot_general3A_244 = arith.constant dense<0.000000e+00> : vector<1024x512xf32>
      %dot_general3A_245 = tpu.matmul %get3A_240, %get3A_243, %dot_general3A_244 {dimension_numbers = #tpu.dot_dimension_numbers<[1], [1], [0], [0], [0, 0, 1, 0], [], []>, transpose_lhs_hint = false} : vector<1024x64xbf16>, vector<512x64xbf16>, vector<1024x512xf32> -> vector<1024x512xf32>
      %get3A_246 = arith.constant 6 : index
      %get3A_247 = arith.constant 0 : index
      %get3A_248 = vector.load %arg20[%get3A_246, %get3A_247] : memref<12x512xf32, #tpu.memory_space<vmem>>, vector<1x512xf32>
      %get3A_249 = vector.shape_cast %get3A_248 : vector<1x512xf32> to vector<512xf32>
      %broadcast_in_dim3A_250 = vector.shape_cast %get3A_249 : vector<512xf32> to vector<1x512xf32>
      %add3A_251 = vector.broadcast %broadcast_in_dim3A_250 : vector<1x512xf32> to vector<1024x512xf32>
      %add3A_252 = arith.addf %dot_general3A_245, %add3A_251 : vector<1024x512xf32>
      %reduce_max3A_253 = arith.constant dense<0xFF800000> : vector<1024xf32>
      %reduce_max3A_254 = vector.multi_reduction <maximumf>, %add3A_252, %reduce_max3A_253 [1] : vector<1024x512xf32> to vector<1024xf32>
      %broadcast_in_dim3A_255 = vector.shape_cast %reduce_max3A_254 : vector<1024xf32> to vector<1024x1xf32>
      %sub3A_256 = vector.broadcast %broadcast_in_dim3A_255 : vector<1024x1xf32> to vector<1024x512xf32>
      %sub3A_257 = arith.subf %add3A_252, %sub3A_256 : vector<1024x512xf32>
      %exp3A_258 = math.exp %sub3A_257 : vector<1024x512xf32>
      %reduce_sum3A_259 = arith.constant dense<0.000000e+00> : vector<1024xf32>
      %reduce_sum3A_260 = vector.multi_reduction <add>, %exp3A_258, %reduce_sum3A_259 [1] : vector<1024x512xf32> to vector<1024xf32>
      %broadcast_in_dim3A_261 = vector.shape_cast %reduce_sum3A_260 : vector<1024xf32> to vector<1024x1xf32>
      %div3A_262 = arith.constant 1.000000e+00 : f32
      %div3A_263 = vector.broadcast %div3A_262 : f32 to vector<1024x1xf32>
      %div3A_264 = arith.divf %div3A_263, %broadcast_in_dim3A_261 : vector<1024x1xf32>
      %convert_element_type3A_265 = arith.truncf %exp3A_258 : vector<1024x512xf32> to vector<1024x512xbf16>
      %get3A_266 = arith.constant 0 : index
      %get3A_267 = arith.constant 384 : index
      %get3A_268 = vector.load %arg19[%get3A_266, %get3A_267] : memref<512x768xbf16, #tpu.memory_space<vmem>>, vector<512x64xbf16>
      %dot_general3A_269 = arith.constant dense<0.000000e+00> : vector<1024x64xf32>
      %dot_general3A_270 = tpu.matmul %convert_element_type3A_265, %get3A_268, %dot_general3A_269 {dimension_numbers = #tpu.dot_dimension_numbers<[1], [0], [0], [1], [0, 0, 1, 1], [], []>, transpose_lhs_hint = false} : vector<1024x512xbf16>, vector<512x64xbf16>, vector<1024x64xf32> -> vector<1024x64xf32>
      %mul3A_271 = vector.broadcast %div3A_264 : vector<1024x1xf32> to vector<1024x64xf32>
      %mul3A_272 = arith.mulf %dot_general3A_270, %mul3A_271 : vector<1024x64xf32>
      %convert_element_type3A_273 = arith.truncf %mul3A_272 : vector<1024x64xf32> to vector<1024x64xbf16>
      %swap3A_274 = arith.constant 0 : index
      %swap3A_275 = arith.constant 384 : index
      %swap3A_276 = vector.load %arg21[%swap3A_274, %swap3A_275] : memref<1024x768xbf16, #tpu.memory_space<vmem>>, vector<1024x64xbf16>
      tpu.vector_store %arg21[%swap3A_274, %swap3A_275], %convert_element_type3A_273 {strides = array<i32>} : memref<1024x768xbf16, #tpu.memory_space<vmem>>, vector<1024x64xbf16>,
      %get3A_277 = arith.constant 0 : index
      %get3A_278 = arith.constant 448 : index
      %get3A_279 = vector.load %arg5[%get3A_277, %get3A_278] : memref<1024x768xbf16, #tpu.memory_space<vmem>>, vector<1024x64xbf16>
      %get3A_280 = arith.constant 0 : index
      %get3A_281 = arith.constant 448 : index
      %get3A_282 = vector.load %arg18[%get3A_280, %get3A_281] : memref<512x768xbf16, #tpu.memory_space<vmem>>, vector<512x64xbf16>
      %dot_general3A_283 = arith.constant dense<0.000000e+00> : vector<1024x512xf32>
      %dot_general3A_284 = tpu.matmul %get3A_279, %get3A_282, %dot_general3A_283 {dimension_numbers = #tpu.dot_dimension_numbers<[1], [1], [0], [0], [0, 0, 1, 0], [], []>, transpose_lhs_hint = false} : vector<1024x64xbf16>, vector<512x64xbf16>, vector<1024x512xf32> -> vector<1024x512xf32>
      %get3A_285 = arith.constant 7 : index
      %get3A_286 = arith.constant 0 : index
      %get3A_287 = vector.load %arg20[%get3A_285, %get3A_286] : memref<12x512xf32, #tpu.memory_space<vmem>>, vector<1x512xf32>
      %get3A_288 = vector.shape_cast %get3A_287 : vector<1x512xf32> to vector<512xf32>
      %broadcast_in_dim3A_289 = vector.shape_cast %get3A_288 : vector<512xf32> to vector<1x512xf32>
      %add3A_290 = vector.broadcast %broadcast_in_dim3A_289 : vector<1x512xf32> to vector<1024x512xf32>
      %add3A_291 = arith.addf %dot_general3A_284, %add3A_290 : vector<1024x512xf32>
      %reduce_max3A_292 = arith.constant dense<0xFF800000> : vector<1024xf32>
      %reduce_max3A_293 = vector.multi_reduction <maximumf>, %add3A_291, %reduce_max3A_292 [1] : vector<1024x512xf32> to vector<1024xf32>
      %broadcast_in_dim3A_294 = vector.shape_cast %reduce_max3A_293 : vector<1024xf32> to vector<1024x1xf32>
      %sub3A_295 = vector.broadcast %broadcast_in_dim3A_294 : vector<1024x1xf32> to vector<1024x512xf32>
      %sub3A_296 = arith.subf %add3A_291, %sub3A_295 : vector<1024x512xf32>
      %exp3A_297 = math.exp %sub3A_296 : vector<1024x512xf32>
      %reduce_sum3A_298 = arith.constant dense<0.000000e+00> : vector<1024xf32>
      %reduce_sum3A_299 = vector.multi_reduction <add>, %exp3A_297, %reduce_sum3A_298 [1] : vector<1024x512xf32> to vector<1024xf32>
      %broadcast_in_dim3A_300 = vector.shape_cast %reduce_sum3A_299 : vector<1024xf32> to vector<1024x1xf32>
      %div3A_301 = arith.constant 1.000000e+00 : f32
      %div3A_302 = vector.broadcast %div3A_301 : f32 to vector<1024x1xf32>
      %div3A_303 = arith.divf %div3A_302, %broadcast_in_dim3A_300 : vector<1024x1xf32>
      %convert_element_type3A_304 = arith.truncf %exp3A_297 : vector<1024x512xf32> to vector<1024x512xbf16>
      %get3A_305 = arith.constant 0 : index
      %get3A_306 = arith.constant 448 : index
      %get3A_307 = vector.load %arg19[%get3A_305, %get3A_306] : memref<512x768xbf16, #tpu.memory_space<vmem>>, vector<512x64xbf16>
      %dot_general3A_308 = arith.constant dense<0.000000e+00> : vector<1024x64xf32>
      %dot_general3A_309 = tpu.matmul %convert_element_type3A_304, %get3A_307, %dot_general3A_308 {dimension_numbers = #tpu.dot_dimension_numbers<[1], [0], [0], [1], [0, 0, 1, 1], [], []>, transpose_lhs_hint = false} : vector<1024x512xbf16>, vector<512x64xbf16>, vector<1024x64xf32> -> vector<1024x64xf32>
      %mul3A_310 = vector.broadcast %div3A_303 : vector<1024x1xf32> to vector<1024x64xf32>
      %mul3A_311 = arith.mulf %dot_general3A_309, %mul3A_310 : vector<1024x64xf32>
      %convert_element_type3A_312 = arith.truncf %mul3A_311 : vector<1024x64xf32> to vector<1024x64xbf16>
      %swap3A_313 = arith.constant 0 : index
      %swap3A_314 = arith.constant 448 : index
      %swap3A_315 = vector.load %arg21[%swap3A_313, %swap3A_314] : memref<1024x768xbf16, #tpu.memory_space<vmem>>, vector<1024x64xbf16>
      tpu.vector_store %arg21[%swap3A_313, %swap3A_314], %convert_element_type3A_312 {strides = array<i32>} : memref<1024x768xbf16, #tpu.memory_space<vmem>>, vector<1024x64xbf16>,
      %get3A_316 = arith.constant 0 : index
      %get3A_317 = arith.constant 512 : index
      %get3A_318 = vector.load %arg5[%get3A_316, %get3A_317] : memref<1024x768xbf16, #tpu.memory_space<vmem>>, vector<1024x64xbf16>
      %get3A_319 = arith.constant 0 : index
      %get3A_320 = arith.constant 512 : index
      %get3A_321 = vector.load %arg18[%get3A_319, %get3A_320] : memref<512x768xbf16, #tpu.memory_space<vmem>>, vector<512x64xbf16>
      %dot_general3A_322 = arith.constant dense<0.000000e+00> : vector<1024x512xf32>
      %dot_general3A_323 = tpu.matmul %get3A_318, %get3A_321, %dot_general3A_322 {dimension_numbers = #tpu.dot_dimension_numbers<[1], [1], [0], [0], [0, 0, 1, 0], [], []>, transpose_lhs_hint = false} : vector<1024x64xbf16>, vector<512x64xbf16>, vector<1024x512xf32> -> vector<1024x512xf32>
      %get3A_324 = arith.constant 8 : index
      %get3A_325 = arith.constant 0 : index
      %get3A_326 = vector.load %arg20[%get3A_324, %get3A_325] : memref<12x512xf32, #tpu.memory_space<vmem>>, vector<1x512xf32>
      %get3A_327 = vector.shape_cast %get3A_326 : vector<1x512xf32> to vector<512xf32>
      %broadcast_in_dim3A_328 = vector.shape_cast %get3A_327 : vector<512xf32> to vector<1x512xf32>
      %add3A_329 = vector.broadcast %broadcast_in_dim3A_328 : vector<1x512xf32> to vector<1024x512xf32>
      %add3A_330 = arith.addf %dot_general3A_323, %add3A_329 : vector<1024x512xf32>
      %reduce_max3A_331 = arith.constant dense<0xFF800000> : vector<1024xf32>
      %reduce_max3A_332 = vector.multi_reduction <maximumf>, %add3A_330, %reduce_max3A_331 [1] : vector<1024x512xf32> to vector<1024xf32>
      %broadcast_in_dim3A_333 = vector.shape_cast %reduce_max3A_332 : vector<1024xf32> to vector<1024x1xf32>
      %sub3A_334 = vector.broadcast %broadcast_in_dim3A_333 : vector<1024x1xf32> to vector<1024x512xf32>
      %sub3A_335 = arith.subf %add3A_330, %sub3A_334 : vector<1024x512xf32>
      %exp3A_336 = math.exp %sub3A_335 : vector<1024x512xf32>
      %reduce_sum3A_337 = arith.constant dense<0.000000e+00> : vector<1024xf32>
      %reduce_sum3A_338 = vector.multi_reduction <add>, %exp3A_336, %reduce_sum3A_337 [1] : vector<1024x512xf32> to vector<1024xf32>
      %broadcast_in_dim3A_339 = vector.shape_cast %reduce_sum3A_338 : vector<1024xf32> to vector<1024x1xf32>
      %div3A_340 = arith.constant 1.000000e+00 : f32
      %div3A_341 = vector.broadcast %div3A_340 : f32 to vector<1024x1xf32>
      %div3A_342 = arith.divf %div3A_341, %broadcast_in_dim3A_339 : vector<1024x1xf32>
      %convert_element_type3A_343 = arith.truncf %exp3A_336 : vector<1024x512xf32> to vector<1024x512xbf16>
      %get3A_344 = arith.constant 0 : index
      %get3A_345 = arith.constant 512 : index
      %get3A_346 = vector.load %arg19[%get3A_344, %get3A_345] : memref<512x768xbf16, #tpu.memory_space<vmem>>, vector<512x64xbf16>
      %dot_general3A_347 = arith.constant dense<0.000000e+00> : vector<1024x64xf32>
      %dot_general3A_348 = tpu.matmul %convert_element_type3A_343, %get3A_346, %dot_general3A_347 {dimension_numbers = #tpu.dot_dimension_numbers<[1], [0], [0], [1], [0, 0, 1, 1], [], []>, transpose_lhs_hint = false} : vector<1024x512xbf16>, vector<512x64xbf16>, vector<1024x64xf32> -> vector<1024x64xf32>
      %mul3A_349 = vector.broadcast %div3A_342 : vector<1024x1xf32> to vector<1024x64xf32>
      %mul3A_350 = arith.mulf %dot_general3A_348, %mul3A_349 : vector<1024x64xf32>
      %convert_element_type3A_351 = arith.truncf %mul3A_350 : vector<1024x64xf32> to vector<1024x64xbf16>
      %swap3A_352 = arith.constant 0 : index
      %swap3A_353 = arith.constant 512 : index
      %swap3A_354 = vector.load %arg21[%swap3A_352, %swap3A_353] : memref<1024x768xbf16, #tpu.memory_space<vmem>>, vector<1024x64xbf16>
      tpu.vector_store %arg21[%swap3A_352, %swap3A_353], %convert_element_type3A_351 {strides = array<i32>} : memref<1024x768xbf16, #tpu.memory_space<vmem>>, vector<1024x64xbf16>,
      %get3A_355 = arith.constant 0 : index
      %get3A_356 = arith.constant 576 : index
      %get3A_357 = vector.load %arg5[%get3A_355, %get3A_356] : memref<1024x768xbf16, #tpu.memory_space<vmem>>, vector<1024x64xbf16>
      %get3A_358 = arith.constant 0 : index
      %get3A_359 = arith.constant 576 : index
      %get3A_360 = vector.load %arg18[%get3A_358, %get3A_359] : memref<512x768xbf16, #tpu.memory_space<vmem>>, vector<512x64xbf16>
      %dot_general3A_361 = arith.constant dense<0.000000e+00> : vector<1024x512xf32>
      %dot_general3A_362 = tpu.matmul %get3A_357, %get3A_360, %dot_general3A_361 {dimension_numbers = #tpu.dot_dimension_numbers<[1], [1], [0], [0], [0, 0, 1, 0], [], []>, transpose_lhs_hint = false} : vector<1024x64xbf16>, vector<512x64xbf16>, vector<1024x512xf32> -> vector<1024x512xf32>
      %get3A_363 = arith.constant 9 : index
      %get3A_364 = arith.constant 0 : index
      %get3A_365 = vector.load %arg20[%get3A_363, %get3A_364] : memref<12x512xf32, #tpu.memory_space<vmem>>, vector<1x512xf32>
      %get3A_366 = vector.shape_cast %get3A_365 : vector<1x512xf32> to vector<512xf32>
      %broadcast_in_dim3A_367 = vector.shape_cast %get3A_366 : vector<512xf32> to vector<1x512xf32>
      %add3A_368 = vector.broadcast %broadcast_in_dim3A_367 : vector<1x512xf32> to vector<1024x512xf32>
      %add3A_369 = arith.addf %dot_general3A_362, %add3A_368 : vector<1024x512xf32>
      %reduce_max3A_370 = arith.constant dense<0xFF800000> : vector<1024xf32>
      %reduce_max3A_371 = vector.multi_reduction <maximumf>, %add3A_369, %reduce_max3A_370 [1] : vector<1024x512xf32> to vector<1024xf32>
      %broadcast_in_dim3A_372 = vector.shape_cast %reduce_max3A_371 : vector<1024xf32> to vector<1024x1xf32>
      %sub3A_373 = vector.broadcast %broadcast_in_dim3A_372 : vector<1024x1xf32> to vector<1024x512xf32>
      %sub3A_374 = arith.subf %add3A_369, %sub3A_373 : vector<1024x512xf32>
      %exp3A_375 = math.exp %sub3A_374 : vector<1024x512xf32>
      %reduce_sum3A_376 = arith.constant dense<0.000000e+00> : vector<1024xf32>
      %reduce_sum3A_377 = vector.multi_reduction <add>, %exp3A_375, %reduce_sum3A_376 [1] : vector<1024x512xf32> to vector<1024xf32>
      %broadcast_in_dim3A_378 = vector.shape_cast %reduce_sum3A_377 : vector<1024xf32> to vector<1024x1xf32>
      %div3A_379 = arith.constant 1.000000e+00 : f32
      %div3A_380 = vector.broadcast %div3A_379 : f32 to vector<1024x1xf32>
      %div3A_381 = arith.divf %div3A_380, %broadcast_in_dim3A_378 : vector<1024x1xf32>
      %convert_element_type3A_382 = arith.truncf %exp3A_375 : vector<1024x512xf32> to vector<1024x512xbf16>
      %get3A_383 = arith.constant 0 : index
      %get3A_384 = arith.constant 576 : index
      %get3A_385 = vector.load %arg19[%get3A_383, %get3A_384] : memref<512x768xbf16, #tpu.memory_space<vmem>>, vector<512x64xbf16>
      %dot_general3A_386 = arith.constant dense<0.000000e+00> : vector<1024x64xf32>
      %dot_general3A_387 = tpu.matmul %convert_element_type3A_382, %get3A_385, %dot_general3A_386 {dimension_numbers = #tpu.dot_dimension_numbers<[1], [0], [0], [1], [0, 0, 1, 1], [], []>, transpose_lhs_hint = false} : vector<1024x512xbf16>, vector<512x64xbf16>, vector<1024x64xf32> -> vector<1024x64xf32>
      %mul3A_388 = vector.broadcast %div3A_381 : vector<1024x1xf32> to vector<1024x64xf32>
      %mul3A_389 = arith.mulf %dot_general3A_387, %mul3A_388 : vector<1024x64xf32>
      %convert_element_type3A_390 = arith.truncf %mul3A_389 : vector<1024x64xf32> to vector<1024x64xbf16>
      %swap3A_391 = arith.constant 0 : index
      %swap3A_392 = arith.constant 576 : index
      %swap3A_393 = vector.load %arg21[%swap3A_391, %swap3A_392] : memref<1024x768xbf16, #tpu.memory_space<vmem>>, vector<1024x64xbf16>
      tpu.vector_store %arg21[%swap3A_391, %swap3A_392], %convert_element_type3A_390 {strides = array<i32>} : memref<1024x768xbf16, #tpu.memory_space<vmem>>, vector<1024x64xbf16>,
      %get3A_394 = arith.constant 0 : index
      %get3A_395 = arith.constant 640 : index
      %get3A_396 = vector.load %arg5[%get3A_394, %get3A_395] : memref<1024x768xbf16, #tpu.memory_space<vmem>>, vector<1024x64xbf16>
      %get3A_397 = arith.constant 0 : index
      %get3A_398 = arith.constant 640 : index
      %get3A_399 = vector.load %arg18[%get3A_397, %get3A_398] : memref<512x768xbf16, #tpu.memory_space<vmem>>, vector<512x64xbf16>
      %dot_general3A_400 = arith.constant dense<0.000000e+00> : vector<1024x512xf32>
      %dot_general3A_401 = tpu.matmul %get3A_396, %get3A_399, %dot_general3A_400 {dimension_numbers = #tpu.dot_dimension_numbers<[1], [1], [0], [0], [0, 0, 1, 0], [], []>, transpose_lhs_hint = false} : vector<1024x64xbf16>, vector<512x64xbf16>, vector<1024x512xf32> -> vector<1024x512xf32>
      %get3A_402 = arith.constant 10 : index
      %get3A_403 = arith.constant 0 : index
      %get3A_404 = vector.load %arg20[%get3A_402, %get3A_403] : memref<12x512xf32, #tpu.memory_space<vmem>>, vector<1x512xf32>
      %get3A_405 = vector.shape_cast %get3A_404 : vector<1x512xf32> to vector<512xf32>
      %broadcast_in_dim3A_406 = vector.shape_cast %get3A_405 : vector<512xf32> to vector<1x512xf32>
      %add3A_407 = vector.broadcast %broadcast_in_dim3A_406 : vector<1x512xf32> to vector<1024x512xf32>
      %add3A_408 = arith.addf %dot_general3A_401, %add3A_407 : vector<1024x512xf32>
      %reduce_max3A_409 = arith.constant dense<0xFF800000> : vector<1024xf32>
      %reduce_max3A_410 = vector.multi_reduction <maximumf>, %add3A_408, %reduce_max3A_409 [1] : vector<1024x512xf32> to vector<1024xf32>
      %broadcast_in_dim3A_411 = vector.shape_cast %reduce_max3A_410 : vector<1024xf32> to vector<1024x1xf32>
      %sub3A_412 = vector.broadcast %broadcast_in_dim3A_411 : vector<1024x1xf32> to vector<1024x512xf32>
      %sub3A_413 = arith.subf %add3A_408, %sub3A_412 : vector<1024x512xf32>
      %exp3A_414 = math.exp %sub3A_413 : vector<1024x512xf32>
      %reduce_sum3A_415 = arith.constant dense<0.000000e+00> : vector<1024xf32>
      %reduce_sum3A_416 = vector.multi_reduction <add>, %exp3A_414, %reduce_sum3A_415 [1] : vector<1024x512xf32> to vector<1024xf32>
      %broadcast_in_dim3A_417 = vector.shape_cast %reduce_sum3A_416 : vector<1024xf32> to vector<1024x1xf32>
      %div3A_418 = arith.constant 1.000000e+00 : f32
      %div3A_419 = vector.broadcast %div3A_418 : f32 to vector<1024x1xf32>
      %div3A_420 = arith.divf %div3A_419, %broadcast_in_dim3A_417 : vector<1024x1xf32>
      %convert_element_type3A_421 = arith.truncf %exp3A_414 : vector<1024x512xf32> to vector<1024x512xbf16>
      %get3A_422 = arith.constant 0 : index
      %get3A_423 = arith.constant 640 : index
      %get3A_424 = vector.load %arg19[%get3A_422, %get3A_423] : memref<512x768xbf16, #tpu.memory_space<vmem>>, vector<512x64xbf16>
      %dot_general3A_425 = arith.constant dense<0.000000e+00> : vector<1024x64xf32>
      %dot_general3A_426 = tpu.matmul %convert_element_type3A_421, %get3A_424, %dot_general3A_425 {dimension_numbers = #tpu.dot_dimension_numbers<[1], [0], [0], [1], [0, 0, 1, 1], [], []>, transpose_lhs_hint = false} : vector<1024x512xbf16>, vector<512x64xbf16>, vector<1024x64xf32> -> vector<1024x64xf32>
      %mul3A_427 = vector.broadcast %div3A_420 : vector<1024x1xf32> to vector<1024x64xf32>
      %mul3A_428 = arith.mulf %dot_general3A_426, %mul3A_427 : vector<1024x64xf32>
      %convert_element_type3A_429 = arith.truncf %mul3A_428 : vector<1024x64xf32> to vector<1024x64xbf16>
      %swap3A_430 = arith.constant 0 : index
      %swap3A_431 = arith.constant 640 : index
      %swap3A_432 = vector.load %arg21[%swap3A_430, %swap3A_431] : memref<1024x768xbf16, #tpu.memory_space<vmem>>, vector<1024x64xbf16>
      tpu.vector_store %arg21[%swap3A_430, %swap3A_431], %convert_element_type3A_429 {strides = array<i32>} : memref<1024x768xbf16, #tpu.memory_space<vmem>>, vector<1024x64xbf16>,
      %get3A_433 = arith.constant 0 : index
      %get3A_434 = arith.constant 704 : index
      %get3A_435 = vector.load %arg5[%get3A_433, %get3A_434] : memref<1024x768xbf16, #tpu.memory_space<vmem>>, vector<1024x64xbf16>
      %get3A_436 = arith.constant 0 : index
      %get3A_437 = arith.constant 704 : index
      %get3A_438 = vector.load %arg18[%get3A_436, %get3A_437] : memref<512x768xbf16, #tpu.memory_space<vmem>>, vector<512x64xbf16>
      %dot_general3A_439 = arith.constant dense<0.000000e+00> : vector<1024x512xf32>
      %dot_general3A_440 = tpu.matmul %get3A_435, %get3A_438, %dot_general3A_439 {dimension_numbers = #tpu.dot_dimension_numbers<[1], [1], [0], [0], [0, 0, 1, 0], [], []>, transpose_lhs_hint = false} : vector<1024x64xbf16>, vector<512x64xbf16>, vector<1024x512xf32> -> vector<1024x512xf32>
      %get3A_441 = arith.constant 11 : index
      %get3A_442 = arith.constant 0 : index
      %get3A_443 = vector.load %arg20[%get3A_441, %get3A_442] : memref<12x512xf32, #tpu.memory_space<vmem>>, vector<1x512xf32>
      %get3A_444 = vector.shape_cast %get3A_443 : vector<1x512xf32> to vector<512xf32>
      %broadcast_in_dim3A_445 = vector.shape_cast %get3A_444 : vector<512xf32> to vector<1x512xf32>
      %add3A_446 = vector.broadcast %broadcast_in_dim3A_445 : vector<1x512xf32> to vector<1024x512xf32>
      %add3A_447 = arith.addf %dot_general3A_440, %add3A_446 : vector<1024x512xf32>
      %reduce_max3A_448 = arith.constant dense<0xFF800000> : vector<1024xf32>
      %reduce_max3A_449 = vector.multi_reduction <maximumf>, %add3A_447, %reduce_max3A_448 [1] : vector<1024x512xf32> to vector<1024xf32>
      %broadcast_in_dim3A_450 = vector.shape_cast %reduce_max3A_449 : vector<1024xf32> to vector<1024x1xf32>
      %sub3A_451 = vector.broadcast %broadcast_in_dim3A_450 : vector<1024x1xf32> to vector<1024x512xf32>
      %sub3A_452 = arith.subf %add3A_447, %sub3A_451 : vector<1024x512xf32>
      %exp3A_453 = math.exp %sub3A_452 : vector<1024x512xf32>
      %reduce_sum3A_454 = arith.constant dense<0.000000e+00> : vector<1024xf32>
      %reduce_sum3A_455 = vector.multi_reduction <add>, %exp3A_453, %reduce_sum3A_454 [1] : vector<1024x512xf32> to vector<1024xf32>
      %broadcast_in_dim3A_456 = vector.shape_cast %reduce_sum3A_455 : vector<1024xf32> to vector<1024x1xf32>
      %div3A_457 = arith.constant 1.000000e+00 : f32
      %div3A_458 = vector.broadcast %div3A_457 : f32 to vector<1024x1xf32>
      %div3A_459 = arith.divf %div3A_458, %broadcast_in_dim3A_456 : vector<1024x1xf32>
      %convert_element_type3A_460 = arith.truncf %exp3A_453 : vector<1024x512xf32> to vector<1024x512xbf16>
      %get3A_461 = arith.constant 0 : index
      %get3A_462 = arith.constant 704 : index
      %get3A_463 = vector.load %arg19[%get3A_461, %get3A_462] : memref<512x768xbf16, #tpu.memory_space<vmem>>, vector<512x64xbf16>
      %dot_general3A_464 = arith.constant dense<0.000000e+00> : vector<1024x64xf32>
      %dot_general3A_465 = tpu.matmul %convert_element_type3A_460, %get3A_463, %dot_general3A_464 {dimension_numbers = #tpu.dot_dimension_numbers<[1], [0], [0], [1], [0, 0, 1, 1], [], []>, transpose_lhs_hint = false} : vector<1024x512xbf16>, vector<512x64xbf16>, vector<1024x64xf32> -> vector<1024x64xf32>
      %mul3A_466 = vector.broadcast %div3A_459 : vector<1024x1xf32> to vector<1024x64xf32>
      %mul3A_467 = arith.mulf %dot_general3A_465, %mul3A_466 : vector<1024x64xf32>
      %convert_element_type3A_468 = arith.truncf %mul3A_467 : vector<1024x64xf32> to vector<1024x64xbf16>
      %swap3A_469 = arith.constant 0 : index
      %swap3A_470 = arith.constant 704 : index
      %swap3A_471 = vector.load %arg21[%swap3A_469, %swap3A_470] : memref<1024x768xbf16, #tpu.memory_space<vmem>>, vector<1024x64xbf16>
      tpu.vector_store %arg21[%swap3A_469, %swap3A_470], %convert_element_type3A_468 {strides = array<i32>} : memref<1024x768xbf16, #tpu.memory_space<vmem>>, vector<1024x64xbf16>,
      %get3A_472 = arith.constant 0 : index
      %get3A_473 = arith.constant 0 : index
      %get3A_474 = vector.load %arg21[%get3A_472, %get3A_473] : memref<1024x768xbf16, #tpu.memory_space<vmem>>, vector<1024x768xbf16>
      %get3A_475 = arith.constant 0 : index
      %get3A_476 = arith.constant 0 : index
      %get3A_477 = vector.load %arg22[%get3A_475, %get3A_476] : memref<768x768xbf16, #tpu.memory_space<vmem>>, vector<768x768xbf16>
      %dot_general3A_478 = arith.constant dense<0.000000e+00> : vector<1024x768xf32>
      %dot_general3A_479 = tpu.matmul %get3A_474, %get3A_477, %dot_general3A_478 {dimension_numbers = #tpu.dot_dimension_numbers<[1], [0], [0], [1], [0, 0, 1, 1], [], []>, transpose_lhs_hint = false} : vector<1024x768xbf16>, vector<768x768xbf16>, vector<1024x768xf32> -> vector<1024x768xf32>
      %get3A_480 = arith.constant 0 : index
      %get3A_481 = arith.constant 0 : index
      %get3A_482 = vector.load %arg12[%get3A_480, %get3A_481] : memref<1x768xf32, #tpu.memory_space<vmem>>, vector<1x768xf32>
      %add3A_483 = vector.broadcast %get3A_482 : vector<1x768xf32> to vector<1024x768xf32>
      %add3A_484 = arith.addf %dot_general3A_479, %add3A_483 : vector<1024x768xf32>
      %swap3A_485 = arith.constant 0 : index
      %swap3A_486 = arith.constant 0 : index
      %swap3A_487 = vector.load %arg13[%swap3A_485, %swap3A_486] : memref<1024x768xf32, #tpu.memory_space<vmem>>, vector<1024x768xf32>
      tpu.vector_store %arg13[%swap3A_485, %swap3A_486], %add3A_484 {strides = array<i32>} : memref<1024x768xf32, #tpu.memory_space<vmem>>, vector<1024x768xf32>,
    } else {
    }
    return
  }
  func.func @transform_0(%arg0: i32) -> (i32, i32) {
    %c0_i32 = arith.constant 0 : i32
    %c0_i32_0 = arith.constant 0 : i32
    %c0_i32_1 = arith.constant 0 : i32
    return %c0_i32, %c0_i32_0 : i32, i32
  }
  func.func @transform_1(%arg0: i32) -> (i32, i32) {
    %c0_i32 = arith.constant 0 : i32
    %c0_i32_0 = arith.constant 0 : i32
    %c0_i32_1 = arith.constant 0 : i32
    return %c0_i32, %c0_i32_0 : i32, i32
  }
  func.func @transform_2(%arg0: i32) -> (i32, i32) {
    %min3A = arith.constant 7 : i32
    %min3A_0 = arith.minsi %arg0, %min3A : i32
    %c0_i32 = arith.constant 0 : i32
    %c0_i32_1 = arith.constant 0 : i32
    return %c0_i32, %min3A_0 : i32, i32
  }
  func.func @transform_3(%arg0: i32) -> (i32, i32) {
    %min3A = arith.constant 7 : i32
    %min3A_0 = arith.minsi %arg0, %min3A : i32
    %c0_i32 = arith.constant 0 : i32
    %c0_i32_1 = arith.constant 0 : i32
    return %min3A_0, %c0_i32 : i32, i32
  }
  func.func @transform_4(%arg0: i32) -> (i32, i32) {
    %sub3A = arith.constant 8 : i32
    %sub3A_0 = arith.subi %arg0, %sub3A : i32
    %max3A = arith.constant 0 : i32
    %max3A_1 = arith.maxsi %sub3A_0, %max3A : i32
    %c0_i32 = arith.constant 0 : i32
    %c0_i32_2 = arith.constant 0 : i32
    return %max3A_1, %c0_i32 : i32, i32
  }
  func.func @transform_5(%arg0: i32) -> (i32, i32) {
    %min3A = arith.constant 7 : i32
    %min3A_0 = arith.minsi %arg0, %min3A : i32
    %c0_i32 = arith.constant 0 : i32
    %c0_i32_1 = arith.constant 0 : i32
    return %min3A_0, %c0_i32 : i32, i32
  }
  func.func @transform_6(%arg0: i32) -> (i32, i32) {
    %c0_i32 = arith.constant 0 : i32
    %c1_i32 = arith.constant 1 : i32
    %c0_i32_0 = arith.constant 0 : i32
    return %c0_i32, %c1_i32 : i32, i32
  }
  func.func @transform_7(%arg0: i32) -> (i32, i32) {
    %c0_i32 = arith.constant 0 : i32
    %c2_i32 = arith.constant 2 : i32
    %c0_i32_0 = arith.constant 0 : i32
    return %c0_i32, %c2_i32 : i32, i32
  }
  func.func @transform_8(%arg0: i32) -> (i32, i32) {
    %c0_i32 = arith.constant 0 : i32
    %c0_i32_0 = arith.constant 0 : i32
    %c0_i32_1 = arith.constant 0 : i32
    return %c0_i32, %c0_i32_0 : i32, i32
  }
  func.func @transform_9(%arg0: i32) -> (i32, i32) {
    %c0_i32 = arith.constant 0 : i32
    %c0_i32_0 = arith.constant 0 : i32
    %c0_i32_1 = arith.constant 0 : i32
    return %c0_i32, %c0_i32_0 : i32, i32
  }
  func.func @transform_10(%arg0: i32) -> (i32, i32) {
    %c0_i32 = arith.constant 0 : i32
    %c0_i32_0 = arith.constant 0 : i32
    %c0_i32_1 = arith.constant 0 : i32
    return %c0_i32, %c0_i32_0 : i32, i32
  }
  func.func @transform_11(%arg0: i32) -> (i32, i32) {
    %c0_i32 = arith.constant 0 : i32
    %c0_i32_0 = arith.constant 0 : i32
    %c0_i32_1 = arith.constant 0 : i32
    return %c0_i32, %c0_i32_0 : i32, i32
  }
  func.func @transform_12(%arg0: i32) -> (i32, i32) {
    %sub3A = arith.constant 8 : i32
    %sub3A_0 = arith.subi %arg0, %sub3A : i32
    %max3A = arith.constant 0 : i32
    %max3A_1 = arith.maxsi %sub3A_0, %max3A : i32
    %c0_i32 = arith.constant 0 : i32
    %c0_i32_2 = arith.constant 0 : i32
    return %max3A_1, %c0_i32 : i32, i32
  }
}

</mosaic_0001>

<sc_bundles>
// kernel: kernel.5.cloned.1.call-start
scs
__scs_entry_jumppad:
0x0: {  	(pc) =	sbr.rel $0x88, $3  }
0x1: {  	(tag) =	ssettag $0x0;
	lr =	simm.s32 $0x1  }
0x2: {  	[smem:$0x3F96] =	sst lr;
	_ =	strace $0xD0000000  }
0x3: {  	_ = 	snop  }
0x4: {  	_ = 	snop  }
0x5: {  	_ = 	snop  }
0x6: {  	_ = 	snop  }
0x7: {  	_ = 	snop  }
__scs_overlays_trampoline_lowered:
0x8: {  	[smem:$0x3FA5] =	sst s0  }
0x9: {  	[smem:$0x3FA6] =	sst s1  }
0xa: {  	[smem:$0x3FA7] =	sst s2  }
0xb: {  	[smem:$0x3FA8] =	sst s3  }
0xc: {  	[smem:$0x3FA9] =	sst s4  }
0xd: {  	[smem:$0x3FAA] =	sst s5  }
0xe: {  	[smem:$0x3FAB] =	sst s6  }
0xf: {  	[smem:$0x3FAC] =	sst s7  }
0x10: {  	[smem:$0x3FAD] =	sst s8  }
0x11: {  	[smem:$0x3FAE] =	sst s9;
	s0 =	simm.s32 @!p0 $0x0  }
0x12: {  	s1 =	sld [smem:$0x3F94];
	s0 =	simm.s32 @p0 $0x1  }
0x13: {  	[smem:$0x3FAF] =	sst s0;
	s0 =	simm.s32 @!p1 $0x0  }
0x14: {  	s2 =	sld [smem:$0x3F93];
	s0 =	simm.s32 @p1 $0x1  }
0x15: {  	[smem:$0x3FB0] =	sst s0;
	s0 =	simm.s32 @!p2 $0x0  }
0x16: {  	s3 =	sld [smem:$0x3FDB];
	s0 =	simm.s32 @p2 $0x1  }
0x17: {  	s4 =	simm.s32 $0x1BF5;
	[smem:$0x3FB2] =	sst s0  }
0x18: {  	s0 =	sld [smem:$0x3F95];
	_ =	swait.ge [sflag:s4], $0x0  }
0x19: {  	s7 =	sld [smem:$0x3F96]  }
0x1a: {  	s8 =	sadd.s32 $0xFFFFE003, lr  }
0x1b: {  	s9 =	sadd.s32 $0xFFFFFEF7, lr;
	s5 =	simm.s32 $0xFFFFFFFF;
	p2 =	slt.u32 s8, $0xFFFFF086  }
0x1c: {  	p1 =	slt.u32 s9, $0xF7A;
	s5 =	simm.s32 @!p2 $0x0  }
0x1d: {  	s5 =	simm.s32 @p1 $0x1;
	p0 =	seq.s32 s7, s2  }
0x1e: {  	s7 =	smul.u32 @!p0 $0xF7A, s2;
	p2 =	seq.s32 @!p0 s5, $0x0  }
0x1f: {  	s9 =	smul.u32 $0xF7A, s1;
	s8 =	simm.s32 @!p0 $0x1BF5;
	p2 =	por !p2, p0  }
0x20: {  	[sflag:s8] =	ssyncset.s32 @!p0 $0xFFFFF086;
	s6 =	sadd.s32 @!p0 s3, s7;
	s7 =	simm.s32 @!p0 $0x108  }
0x21: {  	s3 =	sadd.s32 s3, s9;
	s6 =	sadd.s32 @!p0 $0x88, s6;
	s7 =	simm.s32 @p2 $0x1082  }
0x22: {  	[simem:s7], [sflag:s8] =	dma.local @!p0 [hbm:s6], $0xF7A  }
0x23: {  	s9 =	sor.u32 $0xD0000000, s2;
	s6 =	simm.s32 $0x108;
	_ =	swait.ge @!p0 [sflag:s8], $0x0  }
0x24: {  	s3 =	sadd.s32 $0x88, s3;
	s6 =	simm.s32 @!p1 $0x1082;
	[sflag:s4] =	ssyncset.s32 $0xFFFFF086  }
0x25: {  	[simem:s6], [sflag:s4] =	dma.local [hbm:s3], $0xF7A  }
0x26: {  	[smem:$0x3F96] =	sst s1;
	(tag) =	ssettag s2;
	_ =	strace s9  }
0x27: {  	s1 =	sld [smem:$0x3FA6]  }
0x28: {  	s2 =	sld [smem:$0x3FA7]  }
0x29: {  	s4 =	sld [smem:$0x3FA9]  }
0x2a: {  	p0 =	seq.s32 s5, $0x0;
	s5 =	sld [smem:$0x3FAA]  }
0x2b: {  	s6 =	sld [smem:$0x3FAB]  }
0x2c: {  	s7 =	sld [smem:$0x3FAC]  }
0x2d: {  	s3 =	simm.s32 $0x108;
	s8 =	sld [smem:$0x3FAD]  }
0x2e: {  	s3 =	simm.s32 @!p0 $0x1082;
	s9 =	sld [smem:$0x3FAE]  }
0x2f: {  	lr =	sadd.s32 s0, s3;
	s0 =	sld [smem:$0x3FA5]  }
0x30: {  	s3 =	sld [smem:$0x3FA8]  }
0x31: {  	[smem:$0x3FB1] =	sst s10  }
0x32: {  	s10 =	sld [smem:$0x3FAF];
	_ =	sdelay $0x3  }
0x33: {  	p0 =	seq.s32 s10, $0x1;
	s10 =	sld [smem:$0x3FB1];
	_ =	sdelay $0x3  }
0x34: {  	[smem:$0x3FB1] =	sst s10  }
0x35: {  	s10 =	sld [smem:$0x3FB0];
	_ =	sdelay $0x3  }
0x36: {  	p1 =	seq.s32 s10, $0x1;
	s10 =	sld [smem:$0x3FB1];
	_ =	sdelay $0x3  }
0x37: {  	[smem:$0x3FB1] =	sst s10  }
0x38: {  	s10 =	sld [smem:$0x3FB2]  }
0x39: {  	_ = 	snop;
	(pc) =	sbr.ind lr, $3  }
0x3a: {  	_ = 	snop  }
0x3b: {  	_ = 	snop  }
0x3c: {  	p2 =	seq.s32 s10, $0x1;
	s10 =	sld [smem:$0x3FB1]  }
0x3d: {  	_ =	shalt  }
0x3e: {  	_ =	shalt  }
0x3f: {  	_ =	shalt  }
0x40: {  	_ =	shalt  }
0x41: {  	_ =	shalt  }
0x42: {  	_ =	shalt  }
0x43: {  	_ =	shalt  }
0x44: {  	_ =	shalt  }
0x45: {  	_ =	shalt  }
0x46: {  	_ =	shalt  }
0x47: {  	_ =	shalt  }
0x48: {  	_ =	shalt  }
0x49: {  	_ =	shalt  }
0x4a: {  	_ =	shalt  }
0x4b: {  	_ =	shalt  }
0x4c: {  	_ =	shalt  }
0x4d: {  	_ =	shalt  }
0x4e: {  	_ =	shalt  }
0x4f: {  	_ =	shalt  }
0x50: {  	_ =	shalt  }
0x51: {  	_ =	shalt  }
0x52: {  	_ =	shalt  }
0x53: {  	_ =	shalt  }
0x54: {  	_ =	shalt  }
0x55: {  	_ =	shalt  }
0x56: {  	_ =	shalt  }
0x57: {  	_ =	shalt  }
0x58: {  	_ =	shalt  }
0x59: {  	_ =	shalt  }
0x5a: {  	_ =	shalt  }
0x5b: {  	_ =	shalt  }
0x5c: {  	_ =	shalt  }
0x5d: {  	_ =	shalt  }
0x5e: {  	_ =	shalt  }
0x5f: {  	_ =	shalt  }
0x60: {  	_ =	shalt  }
0x61: {  	_ =	shalt  }
0x62: {  	_ =	shalt  }
0x63: {  	_ =	shalt  }
0x64: {  	_ =	shalt  }
0x65: {  	_ =	shalt  }
0x66: {  	_ =	shalt  }
0x67: {  	_ =	shalt  }
0x68: {  	_ =	shalt  }
0x69: {  	_ =	shalt  }
0x6a: {  	_ =	shalt  }
0x6b: {  	_ =	shalt  }
0x6c: {  	_ =	shalt  }
0x6d: {  	_ =	shalt  }
0x6e: {  	_ =	shalt  }
0x6f: {  	_ =	shalt  }
0x70: {  	_ =	shalt  }
0x71: {  	_ =	shalt  }
0x72: {  	_ =	shalt  }
0x73: {  	_ =	shalt  }
0x74: {  	_ =	shalt  }
0x75: {  	_ =	shalt  }
0x76: {  	_ =	shalt  }
0x77: {  	_ =	shalt  }
0x78: {  	_ =	shalt  }
0x79: {  	_ =	shalt  }
0x7a: {  	_ =	shalt  }
0x7b: {  	_ =	shalt  }
0x7c: {  	_ =	shalt  }
0x7d: {  	_ =	shalt  }
0x7e: {  	_ =	shalt  }
0x7f: {  	_ =	shalt  }
0x80: {  	_ =	shalt  }
0x81: {  	_ =	shalt  }
0x82: {  	_ =	shalt  }
0x83: {  	_ =	shalt  }
0x84: {  	_ =	shalt  }
0x85: {  	_ =	shalt  }
0x86: {  	_ =	shalt  }
0x87: {  	_ =	shalt  }
.Lfunc_end0:
.L_simem_size_0:
called_computation_lowered:
.L_overlay_start_0:
0x88: {  	s2 =	sld [smem:$0x3FD9]  }
0x89: {  	s3 =	sld [smem:$0x3FFE];
	_ =	sdelay $0x1  }
0x8a: {  	s1 =	srdreg.scid  }
0x8b: {  	s0 =	sand.u32 $0x1, s1  }
0x8c: {  	s17 =	sshll.u32 s0, $0xA;
	s2 =	sadd.s32 s3, s2  }
0x8d: {  	s2 =	sadd.s32 s2, s17  }
0x8e: {  	[smem:$0x3FBD] =	sst s2  }
0x8f: {  	_ = 	snop  }
0x90: {  	s2 =	sld [smem:$0x3FC6]  }
0x91: {  	s18 =	sld [smem:$0x3FD0];
	(tm) =	ssettm $0x1  }
0x92: {  	s4 =	sld [smem:$0x3FFB];
	_ =	sdelay $0x3  }
0x93: {  	_ =	strace s4  }
0x94: {  	s4 =	sld [smem:$0x3FFC];
	_ =	sdelay $0x3  }
0x95: {  	_ =	strace s4  }
0x96: {  	s4 =	sld [smem:$0x3FFD];
	_ =	sdelay $0x3  }
0x97: {  	_ =	strace s4  }
0x98: {  	_ =	strace $0x8FFFFFFF  }
0x99: {  	s19 =	sld [smem:$0x3FDB];
	_ =	sdelay $0x1  }
0x9a: {  	s5 =	simm.s32 $_scs_section_size  }
0x9b: {  	s6 =	simm.s32 $_size__tile_overlayer_lowered;
	s7 =	simm.s32 $_tile_overlayer_lowered  }
0x9c: {  	s22 =	simm.s32 $0x1BFF;
	s21 =	sshll.u32 s7, $0x1;
	s4 =	sadd.s32 s5, s19  }
0x9d: {  	s8 =	simm.s32 $0x0;
	s20 =	sshll.u32 s6, $0x1;
	s6 =	sadd.s32 s21, s4  }
0x9e: {  	[timem:s8], [sflag:s22] =	dma.local [hbm:s6], s20  }
0x9f: {  	_ =	swait.ge [sflag:s22], s20  }
0xa0: {  	s5 =	ssub.s32 $0x0, s20;
	[sflag:s22] =	ssyncset.done $0x0  }
0xa1: {  	[sflag:s22] =	ssyncadd.s32 s5;
	_ =	sdelay $0x1  }
0xa2: {  	s23 =	simm.s32 $0x1B8B  }
0xa3: {  	_ =	swait.ge [sflag:s23], $0x1  }
0xa4: {  	[sflag:s23] =	ssyncset.done $0x0  }
0xa5: {  	s25 =	simm.s32 $0x1B8E;
	s24 =	sld [smem:$0x3FFE];
	[sflag:s23] =	ssyncadd.s32 $0xFFFFFFFF  }
0xa6: {  	s26 =	simm.s32 $execute0_lowered;
	[smem:$0x3FD2] =	sst s25  }
0xa7: {  	s6 =	sshll.u32 s26, $0x1;
	_ =	strace $0x80000046;
	[dreg:$0x1] =	wrdreg $0xFFFFFFFF  }
0xa8: {  	s28 =	simm.s32 $_size_execute0_lowered;
	s4 =	sadd.s32 s4, s6;
	[dreg:$0x0] =	wrdreg $0x0  }
0xa9: {  	s6 =	sshll.u32 s28, $0x1;
	[dreg:$0x2] =	wrdreg s4  }
0xaa: {  	[dreg:$0x3] =	wrdreg s6  }
0xab: {  	[dreg:$0x4] =	wrdreg $0xC0  }
0xac: {  	_ =	task [dreg:s8], $0x5FFFF  }
0xad: {  	[dreg:$0x1] =	wrdreg $0xFFFFFFFF  }
0xae: {  	[dreg:$0x0] =	wrdreg $0x60  }
0xaf: {  	[dreg:$0x2] =	wrdreg s24  }
0xb0: {  	[dreg:$0x3] =	wrdreg s2  }
0xb1: {  	[dreg:$0x4] =	wrdreg s18  }
0xb2: {  	[dreg:$0x5] =	wrdreg $0x9  }
0xb3: {  	_ =	task.clear_ibuf [dreg:s8], $0x6FFFF;
	_ =	strace $0x90000046  }
0xb4: {  	s29 =	simm.s32 $0x9;
	_ =	strace $0x80000048  }
0xb5: {  	_ =	swait.ge [sflag:s29], $0x1  }
0xb6: {  	[sflag:s29] =	ssyncadd.s32 $0xFFFFFFFF  }
0xb7: {  	_ =	strace $0x90000048  }
0xb8: {  	_ =	sfence  }
0xb9: {  	s30 =	sld [smem:$0x0];
	_ =	sdelay $0x2  }
0xba: {  	s31 =	sshll.u32 s1, $0xD;
	s1 =	sshrl.u32 s1, $0x2  }
0xbb: {  	s3 =	sand.u32 $0x4000, s31;
	s1 =	sadd.s32 s1, s30  }
0xbc: {  	s0 =	sor.u32 s3, s0;
	s1 =	sshll.u32 s1, $0x11  }
0xbd: {  	s0 =	sor.u32 s1, s0  }
0xbe: {  	s0 =	sadd.s32 $0x8F2B, s0  }
0xbf: {  	[sflag:s0] =	ssyncadd.remote.s32 $0x1  }
0xc0: {  	_ =	sfence.sel $0xFFFF  }
0xc1: {  	[dreg:$0x0] =	wrdreg $0xFFFFFFFF;
	(pc) =	sbr.abs _section_cstart, $3  }
0xc2: {  	[dreg:$0x1] =	wrdreg $0xFFFFFFFF  }
0xc3: {  	_ =	task.clear_ibuf [dreg:s8], $0x2FFFF;
	_ =	strace $0x9FFFFFFF  }
0xc4: {  	(tm) =	ssettm $0x7FFFFFFF  }
0xc5: {  	_ =	shalt  }
tec
execute0_lowered:
.L_overlay_start_1:
0x0: {  	(tag) =	ssettag $0x1  }
0x1: {  	s4 =	rddreg [dreg:$0x0]  }
0x2: {  	s1 =	rddreg [dreg:$0x1]  }
0x3: {  	s10 =	rddreg [dreg:$0x2]  }
0x4: {  	s0 =	rddreg [dreg:$0x3];
	s3 =	simm.s32 $0x0  }
0x5: {  	s5 =	srdreg.scid;
	s2 =	stileid.u32;
	s15 =	simm.s32 $0x800  }
0x6: {  	s16 =	simm.s32 $0x3000;
	s17 =	simm.s32 $0x13000;
	s18 =	simm.s32 $0x0  }
0x7: {  	[smem:$0x7FF] =	sst s3;
	s5 =	sand.u32 $0x1, s5;
	s6 =	sshll.u32 s2, $0x1  }
0x8: {  	s8 =	sadd.s32 $0x4E00, s4;
	s11 =	sadd.s32 $0xE00, s4;
	s12 =	sadd.s32 $0x8E00, s4  }
0x9: {  	_ =	strace $0x80000047;
	s7 =	ssub.s32 $0x2, s5;
	s9 =	sor.u32 s5, s6  }
0xa: {  	s28 =	sshrl.u32 s7, $0x1;
	s6 =	sshll.u32 s9, $0x8;
	s29 =	sshll.u32 s9, $0xD  }
0xb: {  	s14 =	sor.u32 $0x20, s9;
	s13 =	ssub.s32 s7, s28;
	s4 =	sadd.s32 s8, s6  }
0xc: {  	s5 =	sadd.s32 s11, s6;
	s6 =	sadd.s32 s10, s29;
	s30 =	sshll.u32 s14, $0x8  }
0xd: {  	v1 =	vlaneseq.u32;
	s7 =	sadd.s32 s12, s9;
	s31 =	sshll.u32 s14, $0xD;
	s8 =	sadd.s32 s8, s30  }
0xe: {  	v0 =	vmul.u32 $0x100, v1;
	s9 =	sadd.s32 s11, s30;
	s10 =	sadd.s32 s10, s31;
	s11 =	sadd.s32 s12, s14  }
0xf: {  	vm0 =	vmmov $0xff;
	v2 =	vimm.f32 $0.0e+00;
	v1 =	vmul.u32 $0x2000, v1;
	s12 =	smax.u32 s13, $0x1;
	s13 =	simm.s32 $0x1000;
	s14 =	simm.s32 $0x1  }
.LBB2_1:
0x10: {  	[tilespmem:s13], [sflag:$0x1] =	stream.linear.gather [hbm4b:s1+s3], $0x2000, $0x38;
	[tilespmem:$0x13080] =	vst v63  }
0x11: {  	_ =	swait.ge [sflag:s14], $0x2000  }
0x12: {  	[sflag:s14] =	ssyncset.done $0x0  }
0x13: {  	[sflag:s14] =	ssyncadd.s32 $0xFFFFE000  }
0x14: {  	[tilespmem:s3], [sflag:$0x1] =	stream.linear.gather [hbm4b:s4+s3], $0x800, $0x38;
	[tilespmem:$0x13080] =	vst v63  }
0x15: {  	_ =	swait.ge [sflag:s14], $0x800  }
0x16: {  	[sflag:s14] =	ssyncset.done $0x0  }
0x17: {  	[sflag:s14] =	ssyncadd.s32 $0xFFFFF800  }
0x18: {  	[tilespmem:s15], [sflag:$0x1] =	stream.linear.gather [hbm4b:s5+s3], $0x800, $0x38;
	[tilespmem:$0x13080] =	vst v63  }
0x19: {  	_ =	swait.ge [sflag:s14], $0x800  }
0x1a: {  	[sflag:s14] =	ssyncset.done $0x0  }
0x1b: {  	s20 =	simm.s32 $0x3040;
	[sflag:s14] =	ssyncadd.s32 $0xFFFFF800  }
0x1c: {  	[tilespmem:s20+$0x30] =	vst v2  }
0x1d: {  	[tilespmem:s20+$0xFFFFFFC0] =	vst v2  }
0x1e: {  	[tilespmem:s20+$0xFFFFFFD0] =	vst v2  }
0x1f: {  	[tilespmem:s20+$0xFFFFFFE0] =	vst v2  }
0x20: {  	[tilespmem:s20+$0xFFFFFFF0] =	vst v2  }
0x21: {  	[tilespmem:s20+$0x0] =	vst v2  }
0x22: {  	s21 =	simm.s32 $0x0;
	v3 =	vimm.f32 $0.0e+00;
	[tilespmem:s20+$0x10] =	vst v2  }
.LBB2_2:
0x23: {  	s21 =	sadd.s32 $0x8, s21;
	[tilespmem:s20+$0x20] =	vst v3;
	v3 =	vimm.f32 $0.0e+00;
	s20 =	sadd.s32 $0x80, s20  }
0x24: {  	s19 =	simm.s32 $0x0;
	[tilespmem:s20+$0x30] =	vst v3;
	p0 =	slt.u32 s21, $0xFF8  }
0x25: {  	[tilespmem:s20+$0xFFFFFFC0] =	vst v3  }
.Ltmp0:
0x26: {  	[tilespmem:s20+$0xFFFFFFD0] =	vst v3;
	(pc) =	sbr.rel @p0 .LBB2_2-.Ltmp0, $4  }
0x27: {  	[tilespmem:s20+$0xFFFFFFE0] =	vst v3  }
0x28: {  	[tilespmem:s20+$0xFFFFFFF0] =	vst v3  }
0x29: {  	[tilespmem:s20+$0x0] =	vst v3  }
0x2a: {  	[tilespmem:s20+$0x10] =	vst v3  }
0x2b: {  	[tilespmem:s20+$0x20] =	vst v3  }
.LBB2_4:
0x2c: {  	v4 =	vor.u32 s19, v0;
	_ =	sdelay $0x4  }
0x2d: {  	v5 =	vld.idx.msk [tilespmem:v4+s3+$0x0], $0xff;
	_ =	sdelay $0x4  }
0x2e: {  	v5 =	vnsel vm0, $0x0, v5;
	_ =	sdelay $0x3  }
0x2f: {  	v4 =	vld.idx.msk [tilespmem:v4+s15+$0x0], $0xff  }
0x30: {  	v6 =	vld.idx.msk [tilespmem:v5+s13+$0x0], $0xff;
	_ =	sdelay $0x1  }
0x31: {  	s20 =	sadd.s32 $0x1, s19;
	v5 =	vadd.s32 v1, v5  }
0x32: {  	v7 =	vor.u32 s20, v0;
	_ =	sdelay $0x1  }
0x33: {  	v4 =	vmul.f32 v6, v4;
	_ =	sdelay $0x1  }
0x34: {  	[tilespmem:v5+s16+$0x0] =	vst.idx.add.f32.msk $0xff, v4  }
0x35: {  	v4 =	vld.idx.msk [tilespmem:v7+s3+$0x0], $0xff;
	_ =	sdelay $0x4  }
0x36: {  	v4 =	vnsel vm0, $0x0, v4;
	_ =	sdelay $0x3  }
0x37: {  	v5 =	vld.idx.msk [tilespmem:v7+s15+$0x0], $0xff  }
0x38: {  	v58 =	vld.idx.msk [tilespmem:v4+s13+$0x0], $0xff;
	_ =	sdelay $0x1  }
0x39: {  	s30 =	sadd.s32 $0x2, s19;
	v4 =	vadd.s32 v1, v4  }
0x3a: {  	v8 =	vor.u32 s30, v0;
	_ =	sdelay $0x1  }
0x3b: {  	v5 =	vmul.f32 v58, v5;
	_ =	sdelay $0x1  }
0x3c: {  	[tilespmem:v4+s16+$0x0] =	vst.idx.add.f32.msk $0xff, v5  }
0x3d: {  	v4 =	vld.idx.msk [tilespmem:v8+s3+$0x0], $0xff;
	_ =	sdelay $0x4  }
0x3e: {  	v4 =	vnsel vm0, $0x0, v4;
	_ =	sdelay $0x3  }
0x3f: {  	v5 =	vld.idx.msk [tilespmem:v8+s15+$0x0], $0xff  }
0x40: {  	v59 =	vld.idx.msk [tilespmem:v4+s13+$0x0], $0xff;
	_ =	sdelay $0x1  }
0x41: {  	s31 =	sadd.s32 $0x3, s19;
	v4 =	vadd.s32 v1, v4  }
0x42: {  	v9 =	vor.u32 s31, v0;
	_ =	sdelay $0x1  }
0x43: {  	v5 =	vmul.f32 v59, v5;
	_ =	sdelay $0x1  }
0x44: {  	[tilespmem:v4+s16+$0x0] =	vst.idx.add.f32.msk $0xff, v5  }
0x45: {  	v4 =	vld.idx.msk [tilespmem:v9+s3+$0x0], $0xff;
	_ =	sdelay $0x4  }
0x46: {  	v4 =	vnsel vm0, $0x0, v4;
	_ =	sdelay $0x3  }
0x47: {  	v5 =	vld.idx.msk [tilespmem:v9+s15+$0x0], $0xff  }
0x48: {  	v6 =	vnsel vm0, $0x0, v6;
	v60 =	vld.idx.msk [tilespmem:v4+s13+$0x0], $0xff  }
0x49: {  	v3 =	vadd.f32 v6, v3  }
0x4a: {  	p0 =	slt.u32 s19, $0xFC;
	v61 =	vnsel vm0, $0x0, v58;
	v4 =	vadd.s32 v1, v4  }
.Ltmp1:
0x4b: {  	v3 =	vadd.f32 v61, v3;
	(pc) =	sbr.rel @p0 .LBB2_4-.Ltmp1, $4  }
0x4c: {  	v62 =	vnsel vm0, $0x0, v59  }
0x4d: {  	v3 =	vadd.f32 v62, v3;
	v5 =	vmul.f32 v60, v5  }
0x4e: {  	v63 =	vnsel vm0, $0x0, v60  }
0x4f: {  	s19 =	sadd.s32 $0x4, s19;
	v3 =	vadd.f32 v63, v3;
	[tilespmem:v4+s16+$0x0] =	vst.idx.add.f32.msk $0xff, v5  }
0x50: {  	_ = 	snop  }
0x51: {  	s19 =	simm.s32 $0x0;
	[tilespmem:$0x13000] =	vst v3  }
0x52: {  	[hbm4b:s6+s19] =	stream.linear.scatter [tilespmem:s16], [sflag:$0x1], $0x10000, $0x38;
	[tilespmem:$0x13080] =	vst v63  }
0x53: {  	_ =	swait.ge [sflag:s14], $0x10000  }
0x54: {  	[sflag:s14] =	ssyncset.done $0x0  }
0x55: {  	[sflag:s14] =	ssyncadd.s32 $0xFFFF0000  }
0x56: {  	[hbm4b:s7+s19] =	stream.linear.scatter [tilespmem:s17], [sflag:$0x1], $0x8, $0x38;
	[tilespmem:$0x13080] =	vst v63  }
0x57: {  	_ =	swait.ge [sflag:s14], $0x8  }
0x58: {  	[sflag:s14] =	ssyncset.done $0x0  }
0x59: {  	[sflag:s14] =	ssyncadd.s32 $0xFFFFFFF8  }
.LBB2_6:
0x5a: {  	v3 =	vor.u32 s19, v0;
	_ =	sdelay $0x4  }
0x5b: {  	v3 =	vld.idx.msk [tilespmem:v3+s3+$0x0], $0xff;
	_ =	sdelay $0x4  }
0x5c: {  	v3 =	vnsel vm0, $0x0, v3  }
0x5d: {  	s20 =	sadd.s32 $0x1, s19;
	v3 =	vadd.s32 v1, v3  }
0x5e: {  	v4 =	vor.u32 s20, v0;
	_ =	sdelay $0x3  }
0x5f: {  	[tilespmem:v3+s16+$0x0] =	vst.idx.msk $0xff, v2  }
0x60: {  	v3 =	vld.idx.msk [tilespmem:v4+s3+$0x0], $0xff;
	_ =	sdelay $0x4  }
0x61: {  	v3 =	vnsel vm0, $0x0, v3  }
0x62: {  	s30 =	sadd.s32 $0x2, s19;
	v3 =	vadd.s32 v1, v3  }
0x63: {  	v62 =	vor.u32 s30, v0;
	_ =	sdelay $0x3  }
0x64: {  	[tilespmem:v3+s16+$0x0] =	vst.idx.msk $0xff, v2  }
0x65: {  	v3 =	vld.idx.msk [tilespmem:v62+s3+$0x0], $0xff;
	_ =	sdelay $0x4  }
0x66: {  	v3 =	vnsel vm0, $0x0, v3  }
0x67: {  	s31 =	sadd.s32 $0x3, s19;
	v3 =	vadd.s32 v1, v3  }
0x68: {  	v63 =	vor.u32 s31, v0;
	_ =	sdelay $0x3  }
0x69: {  	[tilespmem:v3+s16+$0x0] =	vst.idx.msk $0xff, v2  }
0x6a: {  	v3 =	vld.idx.msk [tilespmem:v63+s3+$0x0], $0xff;
	_ =	sdelay $0x4  }
0x6b: {  	v3 =	vnsel vm0, $0x0, v3  }
0x6c: {  	p0 =	slt.u32 s19, $0xFC;
	v3 =	vadd.s32 v1, v3  }
.Ltmp2:
0x6d: {  	_ = 	snop;
	(pc) =	sbr.rel @p0 .LBB2_6-.Ltmp2, $2  }
0x6e: {  	_ =	sdelay $0x2  }
0x6f: {  	s19 =	sadd.s32 $0x4, s19;
	[tilespmem:v3+s16+$0x0] =	vst.idx.msk $0xff, v2  }
0x70: {  	s19 =	simm.s32 $0x0  }
0x71: {  	[tilespmem:s19], [sflag:$0x1] =	stream.linear.gather [hbm4b:s8+s19], $0x800, $0x38;
	[tilespmem:$0x13080] =	vst v63  }
0x72: {  	_ =	swait.ge [sflag:s14], $0x800  }
0x73: {  	[sflag:s14] =	ssyncset.done $0x0  }
0x74: {  	[sflag:s14] =	ssyncadd.s32 $0xFFFFF800  }
0x75: {  	[tilespmem:s15], [sflag:$0x1] =	stream.linear.gather [hbm4b:s9+s19], $0x800, $0x38;
	[tilespmem:$0x13080] =	vst v63  }
0x76: {  	_ =	swait.ge [sflag:s14], $0x800  }
0x77: {  	[sflag:s14] =	ssyncset.done $0x0  }
0x78: {  	v3 =	vimm.f32 $0.0e+00;
	[sflag:s14] =	ssyncadd.s32 $0xFFFFF800  }
.LBB2_8:
0x79: {  	v4 =	vor.u32 s19, v0;
	_ =	sdelay $0x4  }
0x7a: {  	v5 =	vld.idx.msk [tilespmem:v4+s3+$0x0], $0xff;
	_ =	sdelay $0x4  }
0x7b: {  	v5 =	vnsel vm0, $0x0, v5;
	_ =	sdelay $0x3  }
0x7c: {  	v4 =	vld.idx.msk [tilespmem:v4+s15+$0x0], $0xff  }
0x7d: {  	v6 =	vld.idx.msk [tilespmem:v5+s13+$0x0], $0xff;
	_ =	sdelay $0x1  }
0x7e: {  	s20 =	sadd.s32 $0x1, s19;
	v5 =	vadd.s32 v1, v5  }
0x7f: {  	v7 =	vor.u32 s20, v0;
	_ =	sdelay $0x1  }
0x80: {  	v4 =	vmul.f32 v6, v4;
	_ =	sdelay $0x1  }
0x81: {  	[tilespmem:v5+s16+$0x0] =	vst.idx.add.f32.msk $0xff, v4  }
0x82: {  	v4 =	vld.idx.msk [tilespmem:v7+s3+$0x0], $0xff;
	_ =	sdelay $0x4  }
0x83: {  	v4 =	vnsel vm0, $0x0, v4;
	_ =	sdelay $0x3  }
0x84: {  	v5 =	vld.idx.msk [tilespmem:v7+s15+$0x0], $0xff  }
0x85: {  	v58 =	vld.idx.msk [tilespmem:v4+s13+$0x0], $0xff;
	_ =	sdelay $0x1  }
0x86: {  	s30 =	sadd.s32 $0x2, s19;
	v4 =	vadd.s32 v1, v4  }
0x87: {  	v8 =	vor.u32 s30, v0;
	_ =	sdelay $0x1  }
0x88: {  	v5 =	vmul.f32 v58, v5;
	_ =	sdelay $0x1  }
0x89: {  	[tilespmem:v4+s16+$0x0] =	vst.idx.add.f32.msk $0xff, v5  }
0x8a: {  	v4 =	vld.idx.msk [tilespmem:v8+s3+$0x0], $0xff;
	_ =	sdelay $0x4  }
0x8b: {  	v4 =	vnsel vm0, $0x0, v4;
	_ =	sdelay $0x3  }
0x8c: {  	v5 =	vld.idx.msk [tilespmem:v8+s15+$0x0], $0xff  }
0x8d: {  	v59 =	vld.idx.msk [tilespmem:v4+s13+$0x0], $0xff;
	_ =	sdelay $0x1  }
0x8e: {  	s31 =	sadd.s32 $0x3, s19;
	v4 =	vadd.s32 v1, v4  }
0x8f: {  	v9 =	vor.u32 s31, v0;
	_ =	sdelay $0x1  }
0x90: {  	v5 =	vmul.f32 v59, v5;
	_ =	sdelay $0x1  }
0x91: {  	[tilespmem:v4+s16+$0x0] =	vst.idx.add.f32.msk $0xff, v5  }
0x92: {  	v4 =	vld.idx.msk [tilespmem:v9+s3+$0x0], $0xff;
	_ =	sdelay $0x4  }
0x93: {  	v4 =	vnsel vm0, $0x0, v4;
	_ =	sdelay $0x3  }
0x94: {  	v5 =	vld.idx.msk [tilespmem:v9+s15+$0x0], $0xff  }
0x95: {  	v6 =	vnsel vm0, $0x0, v6;
	v60 =	vld.idx.msk [tilespmem:v4+s13+$0x0], $0xff  }
0x96: {  	v3 =	vadd.f32 v6, v3  }
0x97: {  	p0 =	slt.u32 s19, $0xFC;
	v61 =	vnsel vm0, $0x0, v58;
	v4 =	vadd.s32 v1, v4  }
.Ltmp3:
0x98: {  	v3 =	vadd.f32 v61, v3;
	(pc) =	sbr.rel @p0 .LBB2_8-.Ltmp3, $4  }
0x99: {  	v62 =	vnsel vm0, $0x0, v59  }
0x9a: {  	v3 =	vadd.f32 v62, v3;
	v5 =	vmul.f32 v60, v5  }
0x9b: {  	v63 =	vnsel vm0, $0x0, v60  }
0x9c: {  	s19 =	sadd.s32 $0x4, s19;
	v3 =	vadd.f32 v63, v3;
	[tilespmem:v4+s16+$0x0] =	vst.idx.add.f32.msk $0xff, v5  }
0x9d: {  	_ = 	snop  }
0x9e: {  	[tilespmem:$0x13000] =	vst v3  }
0x9f: {  	[hbm4b:s10+s3] =	stream.linear.scatter [tilespmem:s16], [sflag:$0x1], $0x10000, $0x38;
	[tilespmem:$0x13080] =	vst v63  }
0xa0: {  	s18 =	sadd.s32 $0x1, s18;
	_ =	swait.ge [sflag:s14], $0x10000  }
0xa1: {  	p0 =	sne.s32 s18, s12;
	[sflag:s14] =	ssyncset.done $0x0  }
.Ltmp4:
0xa2: {  	[sflag:s14] =	ssyncadd.s32 $0xFFFF0000;
	(pc) =	sbr.rel @p0 .LBB2_1-.Ltmp4, $4  }
0xa3: {  	[hbm4b:s11+s3] =	stream.linear.scatter [tilespmem:s17], [sflag:$0x1], $0x8, $0x38;
	[tilespmem:$0x13080] =	vst v63  }
0xa4: {  	_ =	swait.ge [sflag:s14], $0x8  }
0xa5: {  	[sflag:s14] =	ssyncset.done $0x0  }
0xa6: {  	[sflag:s14] =	ssyncadd.s32 $0xFFFFFFF8  }
0xa7: {  	_ =	sfence.sel $0x180000  }
0xa8: {  	[bflag:$0x0] =	sbarrier.arrive $0xFFFF  }
0xa9: {  	p0 =	sne.s32 s2, $0x0;
	_ =	strace $0x90000047  }
0xaa: {  	s0 =	sadd.s32 @!p0 $0x100000, s0;
	[bflag:$0x2] =	sbarrier.arrive $0xFFFF  }
0xab: {  	[sflag:s0] =	ssyncadd.tile.s32 @!p0 $0x1;
	_ =	shalt  }
.Lfunc_end2:
_tile_overlayer_lowered:
.L_overlay_start_2:
0xac: {  	(tag) =	ssettag $0x2  }
0xad: {  	s0 =	rddreg [dreg:$0x0];
	s2 =	stileid.u32  }
0xae: {  	s1 =	rddreg [dreg:$0x1];
	p0 =	sne.s32 s2, $0x0  }
0xaf: {  	s3 =	rddreg [dreg:$0x2];
	[bflag:$0x3] =	sbarrier.arrive $0xFFFF;
	s2 =	simm.s32 @!p0 $0x1C01  }
0xb0: {  	[timem:s3], [sflag:s2] =	dma.local @!p0 [hbm:s0], s1  }
0xb1: {  	s0 =	simm.s32 @!p0 $0x1  }
0xb2: {  	_ =	swait.ge @!p0 [sflag:s0], s1  }
0xb3: {  	s1 =	ssub.s32 @!p0 $0x0, s1;
	[sflag:s0] =	ssyncset.done @!p0 $0x0  }
0xb4: {  	[sflag:s0] =	ssyncadd.s32 @!p0 s1  }
0xb5: {  	[bflag:$0x3] =	sbarrier.arrive $0xFFFF  }
0xb6: {  	_ =	shalt  }

</sc_bundles>
